<compile_context>
chip_gen: v7x
topology: tpu7x:2x2x1
jax: 0.10.2.dev20260603
libtpu: 0.0.44.dev20260713+nightly
codegen_flags: <defaults>
</compile_context>

<pallas_src>
import functools

import jax
import jax.numpy as jnp
from jax import lax
from jax.experimental import pallas as pl
from jax.experimental.pallas import tpu as pltpu
from jax.experimental.pallas import tpu_sc as plsc

_N = 10000
_G = 128
_D = 128
_L = 16
_NT = 16
_CHUNK = 624
_HALF = 144
_ACC = 2 * _HALF
_NB = _ACC // _L
_MAXG = 40

_mesh = plsc.VectorSubcoreMesh(
    core_axis_name="c", subcore_axis_name="s", num_cores=1)


@functools.partial(
    pl.kernel,
    out_type=(
        jax.ShapeDtypeStruct((_G,), jnp.float32),
        jax.ShapeDtypeStruct((_G,), jnp.float32),
    ),
    mesh=_mesh,
    compiler_params=pltpu.CompilerParams(
        needs_layout_passes=False, skip_device_barrier=True,
        use_tc_tiling_on_sc=False),
    scratch_types=[
        pltpu.VMEM((_MAXG * _L, _L), jnp.float32),
        pltpu.VMEM((_MAXG * _L,), jnp.int32),
        pltpu.VMEM((_ACC,), jnp.float32),
        pltpu.VMEM((2, _NT, _L), jnp.float32),
        pltpu.VMEM((2 * _L,), jnp.float32),
        pltpu.VMEM_SHARED((_NT, _ACC), jnp.float32),
        pltpu.SemaphoreType.DMA,
    ],
)
def _seg_mean(x_hbm, batch_hbm, mean_out, std_out,
              rows_v, bat_v, acc_v, red_v, out_v, shr, sem):
  wid = lax.axis_index("s")
  base = wid * _CHUNK
  iota = lax.iota(jnp.int32, _L)
  zeros_f = jnp.zeros((_L,), jnp.float32)
  zeros_i = jnp.zeros((_L,), jnp.int32)
  ones_f = zeros_f + jnp.float32(1.0)

  d_bat = pltpu.async_copy(batch_hbm.at[pl.ds(base, _MAXG * _L)],
                           bat_v.at[pl.ds(0, _MAXG * _L)], sem)
  _RC = _MAXG * _L // 4
  d_rows = [
      pltpu.async_copy(x_hbm.at[pl.ds(base + k * _RC, _RC), pl.ds(0, _L)],
                       rows_v.at[pl.ds(k * _RC, _RC)], sem)
      for k in range(4)
  ]

  for j in range(_NB):
    acc_v[pl.ds(j * _L, _L)] = zeros_f
  d_bat.wait()

  def group(g):
    b0 = g * _L
    s = bat_v[pl.ds(b0, _L)]
    v = plsc.load_gather(rows_v, [b0 + iota, zeros_i])
    plsc.addupdate_scatter(acc_v, [s], v)
    plsc.addupdate_scatter(acc_v, [s + _HALF], ones_f)

  for k in range(4):
    d_rows[k].wait()
    lo = k * _RC // _L
    hi = min((k + 1) * _RC // _L, _CHUNK // _L)
    plsc.parallel_loop(lo, hi, unroll=2)(group)

  @pl.when(wid == _NT - 1)
  def _():
    plsc.parallel_loop(_CHUNK // _L, _MAXG)(group)

  pltpu.sync_copy(acc_v, shr.at[wid])
  plsc.subcore_barrier()

  @pl.when(wid < _G // _L)
  def _():
    d1 = pltpu.async_copy(shr.at[pl.ds(0, _NT), pl.ds(wid * _L, _L)],
                          red_v.at[0], sem)
    d2 = pltpu.async_copy(shr.at[pl.ds(0, _NT), pl.ds(_HALF + wid * _L, _L)],
                          red_v.at[1], sem)
    d1.wait()
    d2.wait()
    tot = red_v[0, 0]
    cnt = red_v[1, 0]
    for t in range(1, _NT):
      tot = tot + red_v[0, t]
      cnt = cnt + red_v[1, t]
    out_v[pl.ds(0, _L)] = tot / cnt
    pltpu.sync_copy(out_v.at[pl.ds(0, _L)],
                    mean_out.at[pl.ds(wid * _L, _L)])

  @pl.when(wid >= _G // _L)
  def _():
    out_v[pl.ds(_L, _L)] = zeros_f + jnp.float32(0.1)
    pltpu.sync_copy(out_v.at[pl.ds(_L, _L)],
                    std_out.at[pl.ds((wid - _G // _L) * _L, _L)])


def kernel(x, edge_index, edge_attr, batch):
  del edge_index, edge_attr
  mean, std = _seg_mean(x, batch)
  return mean.reshape(_G, 1), std.reshape(_G, 1)

# --- scband reference (transcript-rebuilt; emitter-appended) ---
"""Pipeline reference for scband-dummy-uncertain-model-60919816127157 (READ-ONLY COPY).

The authoritative reference and input builder live on the scoring server;
editing this copy changes nothing except your own understanding.
"""

import jax, jax.numpy as jnp
import numpy as np

N_NODES = 10000
N_EDGES = 320000
D_FEAT = 128
D_EDGE = 4
N_GRAPHS = 128


def setup_inputs(seed: int = 0) -> dict:
    key = jax.random.key(seed)
    k1, k2, k3, k4 = jax.random.split(key, 4)
    x = jax.random.normal(k1, (N_NODES, D_FEAT), dtype=jnp.float32)
    edge_index = jax.random.randint(k2, (2, N_EDGES), 0, N_NODES, dtype=jnp.int32)
    edge_attr = jax.random.normal(k3, (N_EDGES, D_EDGE), dtype=jnp.float32)
    batch = jnp.sort(jax.random.randint(k4, (N_NODES,), 0, N_GRAPHS, dtype=jnp.int32))
    return {"x": x, "edge_index": edge_index, "edge_attr": edge_attr, "batch": batch}


def reference(x, edge_index, edge_attr, batch):
    # Faithful translation of the torch per-graph masked-mean loop:
    #   out[idx, 0] = x[batch == idx, 0].mean()
    # expressed as a segment reduction (sum / count per segment).
    n_graphs = N_GRAPHS  # static equivalent of int(batch.max()) + 1
    col = x[:, 0]
    sums = jax.ops.segment_sum(col, batch, num_segments=n_graphs)
    counts = jax.ops.segment_sum(jnp.ones_like(col), batch, num_segments=n_graphs)
    mean = (sums / counts)[:, None]
    std = jnp.full_like(mean, 0.1)
    return (mean, std)

if __name__ == "__main__":
    import jax
    _d = setup_inputs()
    print(jax.jit(kernel)(*tuple(_d.values())))

</pallas_src>

<mosaic_0001>
#map = affine_map<(d0, d1) -> (0, 0)>
#map1 = affine_map<(d0, d1) -> (0)>
module attributes {stable_mosaic.version = 14 : i64} {
  func.func @_seg_mean(%arg0: i32, %arg1: i32, %arg2: memref<10000x128xf32, #tpu.memory_space<hbm>>, %arg3: memref<10000xi32, #tpu.memory_space<hbm>>, %arg4: memref<128xf32, #tpu.memory_space<hbm>>, %arg5: memref<128xf32, #tpu.memory_space<hbm>>, %arg6: memref<640x16xf32, #tpu.memory_space<vmem>>, %arg7: memref<640xi32, #tpu.memory_space<vmem>>, %arg8: memref<288xf32, #tpu.memory_space<vmem>>, %arg9: memref<2x16x16xf32, #tpu.memory_space<vmem>>, %arg10: memref<32xf32, #tpu.memory_space<vmem>>, %arg11: memref<16x288xf32, #tpu.memory_space<vmem_shared>>, %arg12: memref<!tpu.dma_semaphore, #tpu.memory_space<semaphore_mem>>) attributes {dimension_semantics = [#tpu.dimension_semantics<core_parallel>, #tpu.dimension_semantics<subcore_parallel>], iteration_bounds = array<i64: 1, 16>, scalar_prefetch = 0 : i64, scratch_operands = 7 : i64, tpu.core_type = #tpu.core_type<sc_vector_subcore>, window_params = [{transform_indices = #map}, {transform_indices = #map1}, {transform_indices = #map1}, {transform_indices = #map1}]} {
    %mul3A = arith.constant 624 : i32
    %mul3A_0 = arith.muli %arg1, %mul3A : i32
    %iota3A = tpu.iota {dimensions = array<i32: 0>} : vector<16xi32>
    %broadcast_in_dim3A = arith.constant 0.000000e+00 : f32
    %broadcast_in_dim3A_1 = vector.broadcast %broadcast_in_dim3A : f32 to vector<16xf32>
    %broadcast_in_dim3A_2 = arith.constant 0 : i32
    %broadcast_in_dim3A_3 = vector.broadcast %broadcast_in_dim3A_2 : i32 to vector<16xi32>
    %add3A = arith.constant 1.000000e+00 : f32
    %add3A_4 = vector.broadcast %add3A : f32 to vector<16xf32>
    %add3A_5 = arith.addf %broadcast_in_dim3A_1, %add3A_4 : vector<16xf32>
    %dma_start3A = arith.constant 0 : i32
    %dma_start3A_6 = tpu.memref_slice %arg7[%dma_start3A] : memref<640xi32, #tpu.memory_space<vmem>> -> memref<640xi32, #tpu.memory_space<vmem>>
    %dma_start3A_7 = tpu.memref_slice %arg3[%mul3A_0] : memref<10000xi32, #tpu.memory_space<hbm>> -> memref<640xi32, #tpu.memory_space<hbm>>
    %dma_start3A_8 = arith.constant 0 : i32
    %dma_start3A_9 = tpu.memref_slice %arg7[%dma_start3A_8] : memref<640xi32, #tpu.memory_space<vmem>> -> memref<640xi32, #tpu.memory_space<vmem>>
    %dma_start3A_10 = tpu.memref_slice %arg3[%mul3A_0] : memref<10000xi32, #tpu.memory_space<hbm>> -> memref<640xi32, #tpu.memory_space<hbm>>
    tpu.enqueue_dma source(%dma_start3A_10 : memref<640xi32, #tpu.memory_space<hbm>>) target(%dma_start3A_9 : memref<640xi32, #tpu.memory_space<vmem>>) target_semaphore(%arg12 : memref<!tpu.dma_semaphore, #tpu.memory_space<semaphore_mem>>)
    %add3A_11 = arith.constant 0 : i32
    %add3A_12 = arith.addi %mul3A_0, %add3A_11 : i32
    %dma_start3A_13 = arith.constant 0 : i32
    %dma_start3A_14 = arith.constant 0 : i32
    %dma_start3A_15 = tpu.memref_slice %arg6[%dma_start3A_13, %dma_start3A_14] : memref<640x16xf32, #tpu.memory_space<vmem>> -> memref<160x16xf32, #tpu.memory_space<vmem>>
    %dma_start3A_16 = arith.constant 0 : i32
    %dma_start3A_17 = tpu.memref_slice %arg2[%add3A_12, %dma_start3A_16] : memref<10000x128xf32, #tpu.memory_space<hbm>> -> memref<160x16xf32, #tpu.memory_space<hbm>>
    %dma_start3A_18 = arith.constant 0 : i32
    %dma_start3A_19 = arith.constant 0 : i32
    %dma_start3A_20 = tpu.memref_slice %arg6[%dma_start3A_18, %dma_start3A_19] : memref<640x16xf32, #tpu.memory_space<vmem>> -> memref<160x16xf32, #tpu.memory_space<vmem>>
    %dma_start3A_21 = arith.constant 0 : i32
    %dma_start3A_22 = tpu.memref_slice %arg2[%add3A_12, %dma_start3A_21] : memref<10000x128xf32, #tpu.memory_space<hbm>> -> memref<160x16xf32, #tpu.memory_space<hbm>>
    tpu.enqueue_dma source(%dma_start3A_22 : memref<160x16xf32, #tpu.memory_space<hbm>>) target(%dma_start3A_20 : memref<160x16xf32, #tpu.memory_space<vmem>>) target_semaphore(%arg12 : memref<!tpu.dma_semaphore, #tpu.memory_space<semaphore_mem>>)
    %add3A_23 = arith.constant 160 : i32
    %add3A_24 = arith.addi %mul3A_0, %add3A_23 : i32
    %dma_start3A_25 = arith.constant 160 : i32
    %dma_start3A_26 = arith.constant 0 : i32
    %dma_start3A_27 = tpu.memref_slice %arg6[%dma_start3A_25, %dma_start3A_26] : memref<640x16xf32, #tpu.memory_space<vmem>> -> memref<160x16xf32, #tpu.memory_space<vmem>>
    %dma_start3A_28 = arith.constant 0 : i32
    %dma_start3A_29 = tpu.memref_slice %arg2[%add3A_24, %dma_start3A_28] : memref<10000x128xf32, #tpu.memory_space<hbm>> -> memref<160x16xf32, #tpu.memory_space<hbm>>
    %dma_start3A_30 = arith.constant 160 : i32
    %dma_start3A_31 = arith.constant 0 : i32
    %dma_start3A_32 = tpu.memref_slice %arg6[%dma_start3A_30, %dma_start3A_31] : memref<640x16xf32, #tpu.memory_space<vmem>> -> memref<160x16xf32, #tpu.memory_space<vmem>>
    %dma_start3A_33 = arith.constant 0 : i32
    %dma_start3A_34 = tpu.memref_slice %arg2[%add3A_24, %dma_start3A_33] : memref<10000x128xf32, #tpu.memory_space<hbm>> -> memref<160x16xf32, #tpu.memory_space<hbm>>
    tpu.enqueue_dma source(%dma_start3A_34 : memref<160x16xf32, #tpu.memory_space<hbm>>) target(%dma_start3A_32 : memref<160x16xf32, #tpu.memory_space<vmem>>) target_semaphore(%arg12 : memref<!tpu.dma_semaphore, #tpu.memory_space<semaphore_mem>>)
    %add3A_35 = arith.constant 320 : i32
    %add3A_36 = arith.addi %mul3A_0, %add3A_35 : i32
    %dma_start3A_37 = arith.constant 320 : i32
    %dma_start3A_38 = arith.constant 0 : i32
    %dma_start3A_39 = tpu.memref_slice %arg6[%dma_start3A_37, %dma_start3A_38] : memref<640x16xf32, #tpu.memory_space<vmem>> -> memref<160x16xf32, #tpu.memory_space<vmem>>
    %dma_start3A_40 = arith.constant 0 : i32
    %dma_start3A_41 = tpu.memref_slice %arg2[%add3A_36, %dma_start3A_40] : memref<10000x128xf32, #tpu.memory_space<hbm>> -> memref<160x16xf32, #tpu.memory_space<hbm>>
    %dma_start3A_42 = arith.constant 320 : i32
    %dma_start3A_43 = arith.constant 0 : i32
    %dma_start3A_44 = tpu.memref_slice %arg6[%dma_start3A_42, %dma_start3A_43] : memref<640x16xf32, #tpu.memory_space<vmem>> -> memref<160x16xf32, #tpu.memory_space<vmem>>
    %dma_start3A_45 = arith.constant 0 : i32
    %dma_start3A_46 = tpu.memref_slice %arg2[%add3A_36, %dma_start3A_45] : memref<10000x128xf32, #tpu.memory_space<hbm>> -> memref<160x16xf32, #tpu.memory_space<hbm>>
    tpu.enqueue_dma source(%dma_start3A_46 : memref<160x16xf32, #tpu.memory_space<hbm>>) target(%dma_start3A_44 : memref<160x16xf32, #tpu.memory_space<vmem>>) target_semaphore(%arg12 : memref<!tpu.dma_semaphore, #tpu.memory_space<semaphore_mem>>)
    %add3A_47 = arith.constant 480 : i32
    %add3A_48 = arith.addi %mul3A_0, %add3A_47 : i32
    %dma_start3A_49 = arith.constant 480 : i32
    %dma_start3A_50 = arith.constant 0 : i32
    %dma_start3A_51 = tpu.memref_slice %arg6[%dma_start3A_49, %dma_start3A_50] : memref<640x16xf32, #tpu.memory_space<vmem>> -> memref<160x16xf32, #tpu.memory_space<vmem>>
    %dma_start3A_52 = arith.constant 0 : i32
    %dma_start3A_53 = tpu.memref_slice %arg2[%add3A_48, %dma_start3A_52] : memref<10000x128xf32, #tpu.memory_space<hbm>> -> memref<160x16xf32, #tpu.memory_space<hbm>>
    %dma_start3A_54 = arith.constant 480 : i32
    %dma_start3A_55 = arith.constant 0 : i32
    %dma_start3A_56 = tpu.memref_slice %arg6[%dma_start3A_54, %dma_start3A_55] : memref<640x16xf32, #tpu.memory_space<vmem>> -> memref<160x16xf32, #tpu.memory_space<vmem>>
    %dma_start3A_57 = arith.constant 0 : i32
    %dma_start3A_58 = tpu.memref_slice %arg2[%add3A_48, %dma_start3A_57] : memref<10000x128xf32, #tpu.memory_space<hbm>> -> memref<160x16xf32, #tpu.memory_space<hbm>>
    tpu.enqueue_dma source(%dma_start3A_58 : memref<160x16xf32, #tpu.memory_space<hbm>>) target(%dma_start3A_56 : memref<160x16xf32, #tpu.memory_space<vmem>>) target_semaphore(%arg12 : memref<!tpu.dma_semaphore, #tpu.memory_space<semaphore_mem>>)
    %swap3A = arith.constant 0 : index
    %swap3A_59 = tpu.vector_load %arg8[%swap3A] {strides = array<i32>} : memref<288xf32, #tpu.memory_space<vmem>>, vector<16xf32>,
    tpu.vector_store %arg8[%swap3A], %broadcast_in_dim3A_1 {strides = array<i32>} : memref<288xf32, #tpu.memory_space<vmem>>, vector<16xf32>,
    %swap3A_60 = arith.constant 16 : index
    %swap3A_61 = tpu.vector_load %arg8[%swap3A_60] {strides = array<i32>} : memref<288xf32, #tpu.memory_space<vmem>>, vector<16xf32>,
    tpu.vector_store %arg8[%swap3A_60], %broadcast_in_dim3A_1 {strides = array<i32>} : memref<288xf32, #tpu.memory_space<vmem>>, vector<16xf32>,
    %swap3A_62 = arith.constant 32 : index
    %swap3A_63 = tpu.vector_load %arg8[%swap3A_62] {strides = array<i32>} : memref<288xf32, #tpu.memory_space<vmem>>, vector<16xf32>,
    tpu.vector_store %arg8[%swap3A_62], %broadcast_in_dim3A_1 {strides = array<i32>} : memref<288xf32, #tpu.memory_space<vmem>>, vector<16xf32>,
    %swap3A_64 = arith.constant 48 : index
    %swap3A_65 = tpu.vector_load %arg8[%swap3A_64] {strides = array<i32>} : memref<288xf32, #tpu.memory_space<vmem>>, vector<16xf32>,
    tpu.vector_store %arg8[%swap3A_64], %broadcast_in_dim3A_1 {strides = array<i32>} : memref<288xf32, #tpu.memory_space<vmem>>, vector<16xf32>,
    %swap3A_66 = arith.constant 64 : index
    %swap3A_67 = tpu.vector_load %arg8[%swap3A_66] {strides = array<i32>} : memref<288xf32, #tpu.memory_space<vmem>>, vector<16xf32>,
    tpu.vector_store %arg8[%swap3A_66], %broadcast_in_dim3A_1 {strides = array<i32>} : memref<288xf32, #tpu.memory_space<vmem>>, vector<16xf32>,
    %swap3A_68 = arith.constant 80 : index
    %swap3A_69 = tpu.vector_load %arg8[%swap3A_68] {strides = array<i32>} : memref<288xf32, #tpu.memory_space<vmem>>, vector<16xf32>,
    tpu.vector_store %arg8[%swap3A_68], %broadcast_in_dim3A_1 {strides = array<i32>} : memref<288xf32, #tpu.memory_space<vmem>>, vector<16xf32>,
    %swap3A_70 = arith.constant 96 : index
    %swap3A_71 = tpu.vector_load %arg8[%swap3A_70] {strides = array<i32>} : memref<288xf32, #tpu.memory_space<vmem>>, vector<16xf32>,
    tpu.vector_store %arg8[%swap3A_70], %broadcast_in_dim3A_1 {strides = array<i32>} : memref<288xf32, #tpu.memory_space<vmem>>, vector<16xf32>,
    %swap3A_72 = arith.constant 112 : index
    %swap3A_73 = tpu.vector_load %arg8[%swap3A_72] {strides = array<i32>} : memref<288xf32, #tpu.memory_space<vmem>>, vector<16xf32>,
    tpu.vector_store %arg8[%swap3A_72], %broadcast_in_dim3A_1 {strides = array<i32>} : memref<288xf32, #tpu.memory_space<vmem>>, vector<16xf32>,
    %swap3A_74 = arith.constant 128 : index
    %swap3A_75 = tpu.vector_load %arg8[%swap3A_74] {strides = array<i32>} : memref<288xf32, #tpu.memory_space<vmem>>, vector<16xf32>,
    tpu.vector_store %arg8[%swap3A_74], %broadcast_in_dim3A_1 {strides = array<i32>} : memref<288xf32, #tpu.memory_space<vmem>>, vector<16xf32>,
    %swap3A_76 = arith.constant 144 : index
    %swap3A_77 = tpu.vector_load %arg8[%swap3A_76] {strides = array<i32>} : memref<288xf32, #tpu.memory_space<vmem>>, vector<16xf32>,
    tpu.vector_store %arg8[%swap3A_76], %broadcast_in_dim3A_1 {strides = array<i32>} : memref<288xf32, #tpu.memory_space<vmem>>, vector<16xf32>,
    %swap3A_78 = arith.constant 160 : index
    %swap3A_79 = tpu.vector_load %arg8[%swap3A_78] {strides = array<i32>} : memref<288xf32, #tpu.memory_space<vmem>>, vector<16xf32>,
    tpu.vector_store %arg8[%swap3A_78], %broadcast_in_dim3A_1 {strides = array<i32>} : memref<288xf32, #tpu.memory_space<vmem>>, vector<16xf32>,
    %swap3A_80 = arith.constant 176 : index
    %swap3A_81 = tpu.vector_load %arg8[%swap3A_80] {strides = array<i32>} : memref<288xf32, #tpu.memory_space<vmem>>, vector<16xf32>,
    tpu.vector_store %arg8[%swap3A_80], %broadcast_in_dim3A_1 {strides = array<i32>} : memref<288xf32, #tpu.memory_space<vmem>>, vector<16xf32>,
    %swap3A_82 = arith.constant 192 : index
    %swap3A_83 = tpu.vector_load %arg8[%swap3A_82] {strides = array<i32>} : memref<288xf32, #tpu.memory_space<vmem>>, vector<16xf32>,
    tpu.vector_store %arg8[%swap3A_82], %broadcast_in_dim3A_1 {strides = array<i32>} : memref<288xf32, #tpu.memory_space<vmem>>, vector<16xf32>,
    %swap3A_84 = arith.constant 208 : index
    %swap3A_85 = tpu.vector_load %arg8[%swap3A_84] {strides = array<i32>} : memref<288xf32, #tpu.memory_space<vmem>>, vector<16xf32>,
    tpu.vector_store %arg8[%swap3A_84], %broadcast_in_dim3A_1 {strides = array<i32>} : memref<288xf32, #tpu.memory_space<vmem>>, vector<16xf32>,
    %swap3A_86 = arith.constant 224 : index
    %swap3A_87 = tpu.vector_load %arg8[%swap3A_86] {strides = array<i32>} : memref<288xf32, #tpu.memory_space<vmem>>, vector<16xf32>,
    tpu.vector_store %arg8[%swap3A_86], %broadcast_in_dim3A_1 {strides = array<i32>} : memref<288xf32, #tpu.memory_space<vmem>>, vector<16xf32>,
    %swap3A_88 = arith.constant 240 : index
    %swap3A_89 = tpu.vector_load %arg8[%swap3A_88] {strides = array<i32>} : memref<288xf32, #tpu.memory_space<vmem>>, vector<16xf32>,
    tpu.vector_store %arg8[%swap3A_88], %broadcast_in_dim3A_1 {strides = array<i32>} : memref<288xf32, #tpu.memory_space<vmem>>, vector<16xf32>,
    %swap3A_90 = arith.constant 256 : index
    %swap3A_91 = tpu.vector_load %arg8[%swap3A_90] {strides = array<i32>} : memref<288xf32, #tpu.memory_space<vmem>>, vector<16xf32>,
    tpu.vector_store %arg8[%swap3A_90], %broadcast_in_dim3A_1 {strides = array<i32>} : memref<288xf32, #tpu.memory_space<vmem>>, vector<16xf32>,
    %swap3A_92 = arith.constant 272 : index
    %swap3A_93 = tpu.vector_load %arg8[%swap3A_92] {strides = array<i32>} : memref<288xf32, #tpu.memory_space<vmem>>, vector<16xf32>,
    tpu.vector_store %arg8[%swap3A_92], %broadcast_in_dim3A_1 {strides = array<i32>} : memref<288xf32, #tpu.memory_space<vmem>>, vector<16xf32>,
    %dma_wait3A = arith.constant 0 : i32
    %dma_wait3A_94 = tpu.memref_slice %arg7[%dma_wait3A] : memref<640xi32, #tpu.memory_space<vmem>> -> memref<640xi32, #tpu.memory_space<vmem>>
    %dma_wait3A_95 = tpu.memref_slice %arg3[%mul3A_0] : memref<10000xi32, #tpu.memory_space<hbm>> -> memref<640xi32, #tpu.memory_space<hbm>>
    %dma_wait3A_96 = arith.constant 0 : i32
    %dma_wait3A_97 = tpu.memref_slice %arg7[%dma_wait3A_96] : memref<640xi32, #tpu.memory_space<vmem>> -> memref<640xi32, #tpu.memory_space<vmem>>
    %dma_wait3A_98 = tpu.memref_slice %arg3[%mul3A_0] : memref<10000xi32, #tpu.memory_space<hbm>> -> memref<640xi32, #tpu.memory_space<hbm>>
    tpu.wait_dma2 semaphore(%arg12 : memref<!tpu.dma_semaphore, #tpu.memory_space<semaphore_mem>>) src(%dma_wait3A_98 : memref<640xi32, #tpu.memory_space<hbm>>) dst(%dma_wait3A_97 : memref<640xi32, #tpu.memory_space<vmem>>)
    %dma_wait3A_99 = arith.constant 0 : i32
    %dma_wait3A_100 = arith.constant 0 : i32
    %dma_wait3A_101 = tpu.memref_slice %arg6[%dma_wait3A_99, %dma_wait3A_100] : memref<640x16xf32, #tpu.memory_space<vmem>> -> memref<160x16xf32, #tpu.memory_space<vmem>>
    %dma_wait3A_102 = arith.constant 0 : i32
    %dma_wait3A_103 = tpu.memref_slice %arg2[%add3A_12, %dma_wait3A_102] : memref<10000x128xf32, #tpu.memory_space<hbm>> -> memref<160x16xf32, #tpu.memory_space<hbm>>
    %dma_wait3A_104 = arith.constant 0 : i32
    %dma_wait3A_105 = arith.constant 0 : i32
    %dma_wait3A_106 = tpu.memref_slice %arg6[%dma_wait3A_104, %dma_wait3A_105] : memref<640x16xf32, #tpu.memory_space<vmem>> -> memref<160x16xf32, #tpu.memory_space<vmem>>
    %dma_wait3A_107 = arith.constant 0 : i32
    %dma_wait3A_108 = tpu.memref_slice %arg2[%add3A_12, %dma_wait3A_107] : memref<10000x128xf32, #tpu.memory_space<hbm>> -> memref<160x16xf32, #tpu.memory_space<hbm>>
    tpu.wait_dma2 semaphore(%arg12 : memref<!tpu.dma_semaphore, #tpu.memory_space<semaphore_mem>>) src(%dma_wait3A_108 : memref<160x16xf32, #tpu.memory_space<hbm>>) dst(%dma_wait3A_106 : memref<160x16xf32, #tpu.memory_space<vmem>>)
    %parallel_loop3A = arith.constant 0 : i32
    %parallel_loop3A_109 = arith.constant 10 : i32
    %parallel_loop3A_110 = arith.constant 1 : i32
    scf.for %parallel_loop3A_160 = %parallel_loop3A to %parallel_loop3A_109 step %parallel_loop3A_110  : i32 {
      %parallel_loop3A_161 = arith.constant 16 : i32
      %parallel_loop3A_162 = arith.muli %parallel_loop3A_160, %parallel_loop3A_161 : i32
      %parallel_loop3A_163 = arith.index_cast %parallel_loop3A_162 : i32 to index
      %parallel_loop3A_164 = tpu.vector_load %arg7[%parallel_loop3A_163] {strides = array<i32>} : memref<640xi32, #tpu.memory_space<vmem>>, vector<16xi32>,
      %parallel_loop3A_165 = vector.broadcast %parallel_loop3A_162 : i32 to vector<16xi32>
      %parallel_loop3A_166 = arith.addi %parallel_loop3A_165, %iota3A : vector<16xi32>
      %parallel_loop3A_167 = tpu.vector_load_idx %arg6[%parallel_loop3A_166, %broadcast_in_dim3A_3] : memref<640x16xf32, #tpu.memory_space<vmem>>[vector<16xi32>, vector<16xi32>], vector<16xf32>,
      tpu.vector_store_idx %arg8[%parallel_loop3A_164], %parallel_loop3A_167 {add = true} : memref<288xf32, #tpu.memory_space<vmem>>[vector<16xi32>], vector<16xf32>,
      %parallel_loop3A_168 = arith.constant 144 : i32
      %parallel_loop3A_169 = vector.broadcast %parallel_loop3A_168 : i32 to vector<16xi32>
      %parallel_loop3A_170 = arith.addi %parallel_loop3A_164, %parallel_loop3A_169 : vector<16xi32>
      tpu.vector_store_idx %arg8[%parallel_loop3A_170], %add3A_5 {add = true} : memref<288xf32, #tpu.memory_space<vmem>>[vector<16xi32>], vector<16xf32>,
    } {sc.loop_unroll_factor = 2 : i64, sc.parallel_access}
    %dma_wait3A_111 = arith.constant 160 : i32
    %dma_wait3A_112 = arith.constant 0 : i32
    %dma_wait3A_113 = tpu.memref_slice %arg6[%dma_wait3A_111, %dma_wait3A_112] : memref<640x16xf32, #tpu.memory_space<vmem>> -> memref<160x16xf32, #tpu.memory_space<vmem>>
    %dma_wait3A_114 = arith.constant 0 : i32
    %dma_wait3A_115 = tpu.memref_slice %arg2[%add3A_24, %dma_wait3A_114] : memref<10000x128xf32, #tpu.memory_space<hbm>> -> memref<160x16xf32, #tpu.memory_space<hbm>>
    %dma_wait3A_116 = arith.constant 160 : i32
    %dma_wait3A_117 = arith.constant 0 : i32
    %dma_wait3A_118 = tpu.memref_slice %arg6[%dma_wait3A_116, %dma_wait3A_117] : memref<640x16xf32, #tpu.memory_space<vmem>> -> memref<160x16xf32, #tpu.memory_space<vmem>>
    %dma_wait3A_119 = arith.constant 0 : i32
    %dma_wait3A_120 = tpu.memref_slice %arg2[%add3A_24, %dma_wait3A_119] : memref<10000x128xf32, #tpu.memory_space<hbm>> -> memref<160x16xf32, #tpu.memory_space<hbm>>
    tpu.wait_dma2 semaphore(%arg12 : memref<!tpu.dma_semaphore, #tpu.memory_space<semaphore_mem>>) src(%dma_wait3A_120 : memref<160x16xf32, #tpu.memory_space<hbm>>) dst(%dma_wait3A_118 : memref<160x16xf32, #tpu.memory_space<vmem>>)
    %parallel_loop3A_121 = arith.constant 10 : i32
    %parallel_loop3A_122 = arith.constant 20 : i32
    %parallel_loop3A_123 = arith.constant 1 : i32
    scf.for %parallel_loop3A_160 = %parallel_loop3A_121 to %parallel_loop3A_122 step %parallel_loop3A_123  : i32 {
      %parallel_loop3A_161 = arith.constant 16 : i32
      %parallel_loop3A_162 = arith.muli %parallel_loop3A_160, %parallel_loop3A_161 : i32
      %parallel_loop3A_163 = arith.index_cast %parallel_loop3A_162 : i32 to index
      %parallel_loop3A_164 = tpu.vector_load %arg7[%parallel_loop3A_163] {strides = array<i32>} : memref<640xi32, #tpu.memory_space<vmem>>, vector<16xi32>,
      %parallel_loop3A_165 = vector.broadcast %parallel_loop3A_162 : i32 to vector<16xi32>
      %parallel_loop3A_166 = arith.addi %parallel_loop3A_165, %iota3A : vector<16xi32>
      %parallel_loop3A_167 = tpu.vector_load_idx %arg6[%parallel_loop3A_166, %broadcast_in_dim3A_3] : memref<640x16xf32, #tpu.memory_space<vmem>>[vector<16xi32>, vector<16xi32>], vector<16xf32>,
      tpu.vector_store_idx %arg8[%parallel_loop3A_164], %parallel_loop3A_167 {add = true} : memref<288xf32, #tpu.memory_space<vmem>>[vector<16xi32>], vector<16xf32>,
      %parallel_loop3A_168 = arith.constant 144 : i32
      %parallel_loop3A_169 = vector.broadcast %parallel_loop3A_168 : i32 to vector<16xi32>
      %parallel_loop3A_170 = arith.addi %parallel_loop3A_164, %parallel_loop3A_169 : vector<16xi32>
      tpu.vector_store_idx %arg8[%parallel_loop3A_170], %add3A_5 {add = true} : memref<288xf32, #tpu.memory_space<vmem>>[vector<16xi32>], vector<16xf32>,
    } {sc.loop_unroll_factor = 2 : i64, sc.parallel_access}
    %dma_wait3A_124 = arith.constant 320 : i32
    %dma_wait3A_125 = arith.constant 0 : i32
    %dma_wait3A_126 = tpu.memref_slice %arg6[%dma_wait3A_124, %dma_wait3A_125] : memref<640x16xf32, #tpu.memory_space<vmem>> -> memref<160x16xf32, #tpu.memory_space<vmem>>
    %dma_wait3A_127 = arith.constant 0 : i32
    %dma_wait3A_128 = tpu.memref_slice %arg2[%add3A_36, %dma_wait3A_127] : memref<10000x128xf32, #tpu.memory_space<hbm>> -> memref<160x16xf32, #tpu.memory_space<hbm>>
    %dma_wait3A_129 = arith.constant 320 : i32
    %dma_wait3A_130 = arith.constant 0 : i32
    %dma_wait3A_131 = tpu.memref_slice %arg6[%dma_wait3A_129, %dma_wait3A_130] : memref<640x16xf32, #tpu.memory_space<vmem>> -> memref<160x16xf32, #tpu.memory_space<vmem>>
    %dma_wait3A_132 = arith.constant 0 : i32
    %dma_wait3A_133 = tpu.memref_slice %arg2[%add3A_36, %dma_wait3A_132] : memref<10000x128xf32, #tpu.memory_space<hbm>> -> memref<160x16xf32, #tpu.memory_space<hbm>>
    tpu.wait_dma2 semaphore(%arg12 : memref<!tpu.dma_semaphore, #tpu.memory_space<semaphore_mem>>) src(%dma_wait3A_133 : memref<160x16xf32, #tpu.memory_space<hbm>>) dst(%dma_wait3A_131 : memref<160x16xf32, #tpu.memory_space<vmem>>)
    %parallel_loop3A_134 = arith.constant 20 : i32
    %parallel_loop3A_135 = arith.constant 30 : i32
    %parallel_loop3A_136 = arith.constant 1 : i32
    scf.for %parallel_loop3A_160 = %parallel_loop3A_134 to %parallel_loop3A_135 step %parallel_loop3A_136  : i32 {
      %parallel_loop3A_161 = arith.constant 16 : i32
      %parallel_loop3A_162 = arith.muli %parallel_loop3A_160, %parallel_loop3A_161 : i32
      %parallel_loop3A_163 = arith.index_cast %parallel_loop3A_162 : i32 to index
      %parallel_loop3A_164 = tpu.vector_load %arg7[%parallel_loop3A_163] {strides = array<i32>} : memref<640xi32, #tpu.memory_space<vmem>>, vector<16xi32>,
      %parallel_loop3A_165 = vector.broadcast %parallel_loop3A_162 : i32 to vector<16xi32>
      %parallel_loop3A_166 = arith.addi %parallel_loop3A_165, %iota3A : vector<16xi32>
      %parallel_loop3A_167 = tpu.vector_load_idx %arg6[%parallel_loop3A_166, %broadcast_in_dim3A_3] : memref<640x16xf32, #tpu.memory_space<vmem>>[vector<16xi32>, vector<16xi32>], vector<16xf32>,
      tpu.vector_store_idx %arg8[%parallel_loop3A_164], %parallel_loop3A_167 {add = true} : memref<288xf32, #tpu.memory_space<vmem>>[vector<16xi32>], vector<16xf32>,
      %parallel_loop3A_168 = arith.constant 144 : i32
      %parallel_loop3A_169 = vector.broadcast %parallel_loop3A_168 : i32 to vector<16xi32>
      %parallel_loop3A_170 = arith.addi %parallel_loop3A_164, %parallel_loop3A_169 : vector<16xi32>
      tpu.vector_store_idx %arg8[%parallel_loop3A_170], %add3A_5 {add = true} : memref<288xf32, #tpu.memory_space<vmem>>[vector<16xi32>], vector<16xf32>,
    } {sc.loop_unroll_factor = 2 : i64, sc.parallel_access}
    %dma_wait3A_137 = arith.constant 480 : i32
    %dma_wait3A_138 = arith.constant 0 : i32
    %dma_wait3A_139 = tpu.memref_slice %arg6[%dma_wait3A_137, %dma_wait3A_138] : memref<640x16xf32, #tpu.memory_space<vmem>> -> memref<160x16xf32, #tpu.memory_space<vmem>>
    %dma_wait3A_140 = arith.constant 0 : i32
    %dma_wait3A_141 = tpu.memref_slice %arg2[%add3A_48, %dma_wait3A_140] : memref<10000x128xf32, #tpu.memory_space<hbm>> -> memref<160x16xf32, #tpu.memory_space<hbm>>
    %dma_wait3A_142 = arith.constant 480 : i32
    %dma_wait3A_143 = arith.constant 0 : i32
    %dma_wait3A_144 = tpu.memref_slice %arg6[%dma_wait3A_142, %dma_wait3A_143] : memref<640x16xf32, #tpu.memory_space<vmem>> -> memref<160x16xf32, #tpu.memory_space<vmem>>
    %dma_wait3A_145 = arith.constant 0 : i32
    %dma_wait3A_146 = tpu.memref_slice %arg2[%add3A_48, %dma_wait3A_145] : memref<10000x128xf32, #tpu.memory_space<hbm>> -> memref<160x16xf32, #tpu.memory_space<hbm>>
    tpu.wait_dma2 semaphore(%arg12 : memref<!tpu.dma_semaphore, #tpu.memory_space<semaphore_mem>>) src(%dma_wait3A_146 : memref<160x16xf32, #tpu.memory_space<hbm>>) dst(%dma_wait3A_144 : memref<160x16xf32, #tpu.memory_space<vmem>>)
    %parallel_loop3A_147 = arith.constant 30 : i32
    %parallel_loop3A_148 = arith.constant 39 : i32
    %parallel_loop3A_149 = arith.constant 1 : i32
    scf.for %parallel_loop3A_160 = %parallel_loop3A_147 to %parallel_loop3A_148 step %parallel_loop3A_149  : i32 {
      %parallel_loop3A_161 = arith.constant 16 : i32
      %parallel_loop3A_162 = arith.muli %parallel_loop3A_160, %parallel_loop3A_161 : i32
      %parallel_loop3A_163 = arith.index_cast %parallel_loop3A_162 : i32 to index
      %parallel_loop3A_164 = tpu.vector_load %arg7[%parallel_loop3A_163] {strides = array<i32>} : memref<640xi32, #tpu.memory_space<vmem>>, vector<16xi32>,
      %parallel_loop3A_165 = vector.broadcast %parallel_loop3A_162 : i32 to vector<16xi32>
      %parallel_loop3A_166 = arith.addi %parallel_loop3A_165, %iota3A : vector<16xi32>
      %parallel_loop3A_167 = tpu.vector_load_idx %arg6[%parallel_loop3A_166, %broadcast_in_dim3A_3] : memref<640x16xf32, #tpu.memory_space<vmem>>[vector<16xi32>, vector<16xi32>], vector<16xf32>,
      tpu.vector_store_idx %arg8[%parallel_loop3A_164], %parallel_loop3A_167 {add = true} : memref<288xf32, #tpu.memory_space<vmem>>[vector<16xi32>], vector<16xf32>,
      %parallel_loop3A_168 = arith.constant 144 : i32
      %parallel_loop3A_169 = vector.broadcast %parallel_loop3A_168 : i32 to vector<16xi32>
      %parallel_loop3A_170 = arith.addi %parallel_loop3A_164, %parallel_loop3A_169 : vector<16xi32>
      tpu.vector_store_idx %arg8[%parallel_loop3A_170], %add3A_5 {add = true} : memref<288xf32, #tpu.memory_space<vmem>>[vector<16xi32>], vector<16xf32>,
    } {sc.loop_unroll_factor = 2 : i64, sc.parallel_access}
    %eq3A = arith.constant 15 : i32
    %eq3A_150 = arith.cmpi eq, %arg1, %eq3A : i32
    %convert_element_type3A = arith.extui %eq3A_150 : i1 to i32
    %cond3A = arith.constant 0 : i32
    %cond3A_151 = arith.cmpi ne, %convert_element_type3A, %cond3A : i32
    scf.if %cond3A_151 {
      %parallel_loop3A_160 = arith.constant 39 : i32
      %parallel_loop3A_161 = arith.constant 40 : i32
      %parallel_loop3A_162 = arith.constant 1 : i32
      scf.for %parallel_loop3A_163 = %parallel_loop3A_160 to %parallel_loop3A_161 step %parallel_loop3A_162  : i32 {
        %parallel_loop3A_164 = arith.constant 16 : i32
        %parallel_loop3A_165 = arith.muli %parallel_loop3A_163, %parallel_loop3A_164 : i32
        %parallel_loop3A_166 = arith.index_cast %parallel_loop3A_165 : i32 to index
        %parallel_loop3A_167 = tpu.vector_load %arg7[%parallel_loop3A_166] {strides = array<i32>} : memref<640xi32, #tpu.memory_space<vmem>>, vector<16xi32>,
        %parallel_loop3A_168 = vector.broadcast %parallel_loop3A_165 : i32 to vector<16xi32>
        %parallel_loop3A_169 = arith.addi %parallel_loop3A_168, %iota3A : vector<16xi32>
        %parallel_loop3A_170 = tpu.vector_load_idx %arg6[%parallel_loop3A_169, %broadcast_in_dim3A_3] : memref<640x16xf32, #tpu.memory_space<vmem>>[vector<16xi32>, vector<16xi32>], vector<16xf32>,
        tpu.vector_store_idx %arg8[%parallel_loop3A_167], %parallel_loop3A_170 {add = true} : memref<288xf32, #tpu.memory_space<vmem>>[vector<16xi32>], vector<16xf32>,
        %parallel_loop3A_171 = arith.constant 144 : i32
        %parallel_loop3A_172 = vector.broadcast %parallel_loop3A_171 : i32 to vector<16xi32>
        %parallel_loop3A_173 = arith.addi %parallel_loop3A_167, %parallel_loop3A_172 : vector<16xi32>
        tpu.vector_store_idx %arg8[%parallel_loop3A_173], %add3A_5 {add = true} : memref<288xf32, #tpu.memory_space<vmem>>[vector<16xi32>], vector<16xf32>,
      } {sc.loop_unroll_factor = 1 : i64, sc.parallel_access}
    } else {
    }
    "tpu.region"() ({
      %run_scoped3A = tpu.sem_alloc : memref<!tpu.dma_semaphore, #tpu.memory_space<semaphore_mem>>
      %dma_start3A_160 = arith.constant 0 : i32
      %dma_start3A_161 = tpu.memref_slice %arg11[%arg1, %dma_start3A_160] : memref<16x288xf32, #tpu.memory_space<vmem_shared>> -> memref<1x288xf32, #tpu.memory_space<vmem_shared>>
      %dma_start3A_162 = tpu.memref_squeeze %dma_start3A_161 : memref<1x288xf32, #tpu.memory_space<vmem_shared>> -> memref<288xf32, #tpu.memory_space<vmem_shared>>
      %dma_start3A_163 = arith.constant 0 : i32
      %dma_start3A_164 = tpu.memref_slice %arg11[%arg1, %dma_start3A_163] : memref<16x288xf32, #tpu.memory_space<vmem_shared>> -> memref<1x288xf32, #tpu.memory_space<vmem_shared>>
      %dma_start3A_165 = tpu.memref_squeeze %dma_start3A_164 : memref<1x288xf32, #tpu.memory_space<vmem_shared>> -> memref<288xf32, #tpu.memory_space<vmem_shared>>
      tpu.enqueue_dma source(%arg8 : memref<288xf32, #tpu.memory_space<vmem>>) target(%dma_start3A_165 : memref<288xf32, #tpu.memory_space<vmem_shared>>) target_semaphore(%run_scoped3A : memref<!tpu.dma_semaphore, #tpu.memory_space<semaphore_mem>>)
      %dma_wait3A_166 = arith.constant 0 : i32
      %dma_wait3A_167 = tpu.memref_slice %arg11[%arg1, %dma_wait3A_166] : memref<16x288xf32, #tpu.memory_space<vmem_shared>> -> memref<1x288xf32, #tpu.memory_space<vmem_shared>>
      %dma_wait3A_168 = tpu.memref_squeeze %dma_wait3A_167 : memref<1x288xf32, #tpu.memory_space<vmem_shared>> -> memref<288xf32, #tpu.memory_space<vmem_shared>>
      %dma_wait3A_169 = arith.constant 0 : i32
      %dma_wait3A_170 = tpu.memref_slice %arg11[%arg1, %dma_wait3A_169] : memref<16x288xf32, #tpu.memory_space<vmem_shared>> -> memref<1x288xf32, #tpu.memory_space<vmem_shared>>
      %dma_wait3A_171 = tpu.memref_squeeze %dma_wait3A_170 : memref<1x288xf32, #tpu.memory_space<vmem_shared>> -> memref<288xf32, #tpu.memory_space<vmem_shared>>
      tpu.wait_dma2 semaphore(%run_scoped3A : memref<!tpu.dma_semaphore, #tpu.memory_space<semaphore_mem>>) src(%arg8 : memref<288xf32, #tpu.memory_space<vmem>>) dst(%dma_wait3A_171 : memref<288xf32, #tpu.memory_space<vmem_shared>>)
      tpu.yield
    }) : () -> ()
    %barrier3A = arith.constant 0 : index
    tpu.barrier barrier_id(%barrier3A)
    %lt3A = arith.constant 8 : i32
    %lt3A_152 = arith.cmpi slt, %arg1, %lt3A : i32
    %convert_element_type3A_153 = arith.extui %lt3A_152 : i1 to i32
    %cond3A_154 = arith.constant 0 : i32
    %cond3A_155 = arith.cmpi ne, %convert_element_type3A_153, %cond3A_154 : i32
    scf.if %cond3A_155 {
      %mul3A_160 = arith.constant 16 : i32
      %mul3A_161 = arith.muli %arg1, %mul3A_160 : i32
      %dma_start3A_162 = arith.constant 0 : i32
      %dma_start3A_163 = arith.constant 0 : i32
      %dma_start3A_164 = arith.constant 0 : i32
      %dma_start3A_165 = tpu.memref_slice %arg9[%dma_start3A_162, %dma_start3A_163, %dma_start3A_164] : memref<2x16x16xf32, #tpu.memory_space<vmem>> -> memref<1x16x16xf32, #tpu.memory_space<vmem>>
      %dma_start3A_166 = tpu.memref_squeeze %dma_start3A_165 : memref<1x16x16xf32, #tpu.memory_space<vmem>> -> memref<16x16xf32, #tpu.memory_space<vmem>>
      %dma_start3A_167 = arith.constant 0 : i32
      %dma_start3A_168 = tpu.memref_slice %arg11[%dma_start3A_167, %mul3A_161] : memref<16x288xf32, #tpu.memory_space<vmem_shared>> -> memref<16x16xf32, #tpu.memory_space<vmem_shared>>
      %dma_start3A_169 = arith.constant 0 : i32
      %dma_start3A_170 = arith.constant 0 : i32
      %dma_start3A_171 = tpu.memref_slice %arg9[%dma_start3A_162, %dma_start3A_169, %dma_start3A_170] : memref<2x16x16xf32, #tpu.memory_space<vmem>> -> memref<1x16x16xf32, #tpu.memory_space<vmem>>
      %dma_start3A_172 = tpu.memref_squeeze %dma_start3A_171 : memref<1x16x16xf32, #tpu.memory_space<vmem>> -> memref<16x16xf32, #tpu.memory_space<vmem>>
      %dma_start3A_173 = arith.constant 0 : i32
      %dma_start3A_174 = tpu.memref_slice %arg11[%dma_start3A_173, %mul3A_161] : memref<16x288xf32, #tpu.memory_space<vmem_shared>> -> memref<16x16xf32, #tpu.memory_space<vmem_shared>>
      tpu.enqueue_dma source(%dma_start3A_174 : memref<16x16xf32, #tpu.memory_space<vmem_shared>>) target(%dma_start3A_172 : memref<16x16xf32, #tpu.memory_space<vmem>>) target_semaphore(%arg12 : memref<!tpu.dma_semaphore, #tpu.memory_space<semaphore_mem>>)
      %mul3A_175 = arith.constant 16 : i32
      %mul3A_176 = arith.muli %arg1, %mul3A_175 : i32
      %add3A_177 = arith.constant 144 : i32
      %add3A_178 = arith.addi %add3A_177, %mul3A_176 : i32
      %dma_start3A_179 = arith.constant 1 : i32
      %dma_start3A_180 = arith.constant 0 : i32
      %dma_start3A_181 = arith.constant 0 : i32
      %dma_start3A_182 = tpu.memref_slice %arg9[%dma_start3A_179, %dma_start3A_180, %dma_start3A_181] : memref<2x16x16xf32, #tpu.memory_space<vmem>> -> memref<1x16x16xf32, #tpu.memory_space<vmem>>
      %dma_start3A_183 = tpu.memref_squeeze %dma_start3A_182 : memref<1x16x16xf32, #tpu.memory_space<vmem>> -> memref<16x16xf32, #tpu.memory_space<vmem>>
      %dma_start3A_184 = arith.constant 0 : i32
      %dma_start3A_185 = tpu.memref_slice %arg11[%dma_start3A_184, %add3A_178] : memref<16x288xf32, #tpu.memory_space<vmem_shared>> -> memref<16x16xf32, #tpu.memory_space<vmem_shared>>
      %dma_start3A_186 = arith.constant 0 : i32
      %dma_start3A_187 = arith.constant 0 : i32
      %dma_start3A_188 = tpu.memref_slice %arg9[%dma_start3A_179, %dma_start3A_186, %dma_start3A_187] : memref<2x16x16xf32, #tpu.memory_space<vmem>> -> memref<1x16x16xf32, #tpu.memory_space<vmem>>
      %dma_start3A_189 = tpu.memref_squeeze %dma_start3A_188 : memref<1x16x16xf32, #tpu.memory_space<vmem>> -> memref<16x16xf32, #tpu.memory_space<vmem>>
      %dma_start3A_190 = arith.constant 0 : i32
      %dma_start3A_191 = tpu.memref_slice %arg11[%dma_start3A_190, %add3A_178] : memref<16x288xf32, #tpu.memory_space<vmem_shared>> -> memref<16x16xf32, #tpu.memory_space<vmem_shared>>
      tpu.enqueue_dma source(%dma_start3A_191 : memref<16x16xf32, #tpu.memory_space<vmem_shared>>) target(%dma_start3A_189 : memref<16x16xf32, #tpu.memory_space<vmem>>) target_semaphore(%arg12 : memref<!tpu.dma_semaphore, #tpu.memory_space<semaphore_mem>>)
      %dma_wait3A_192 = arith.constant 0 : i32
      %dma_wait3A_193 = arith.constant 0 : i32
      %dma_wait3A_194 = arith.constant 0 : i32
      %dma_wait3A_195 = tpu.memref_slice %arg9[%dma_wait3A_192, %dma_wait3A_193, %dma_wait3A_194] : memref<2x16x16xf32, #tpu.memory_space<vmem>> -> memref<1x16x16xf32, #tpu.memory_space<vmem>>
      %dma_wait3A_196 = tpu.memref_squeeze %dma_wait3A_195 : memref<1x16x16xf32, #tpu.memory_space<vmem>> -> memref<16x16xf32, #tpu.memory_space<vmem>>
      %dma_wait3A_197 = arith.constant 0 : i32
      %dma_wait3A_198 = tpu.memref_slice %arg11[%dma_wait3A_197, %mul3A_161] : memref<16x288xf32, #tpu.memory_space<vmem_shared>> -> memref<16x16xf32, #tpu.memory_space<vmem_shared>>
      %dma_wait3A_199 = arith.constant 0 : i32
      %dma_wait3A_200 = arith.constant 0 : i32
      %dma_wait3A_201 = tpu.memref_slice %arg9[%dma_wait3A_192, %dma_wait3A_199, %dma_wait3A_200] : memref<2x16x16xf32, #tpu.memory_space<vmem>> -> memref<1x16x16xf32, #tpu.memory_space<vmem>>
      %dma_wait3A_202 = tpu.memref_squeeze %dma_wait3A_201 : memref<1x16x16xf32, #tpu.memory_space<vmem>> -> memref<16x16xf32, #tpu.memory_space<vmem>>
      %dma_wait3A_203 = arith.constant 0 : i32
      %dma_wait3A_204 = tpu.memref_slice %arg11[%dma_wait3A_203, %mul3A_161] : memref<16x288xf32, #tpu.memory_space<vmem_shared>> -> memref<16x16xf32, #tpu.memory_space<vmem_shared>>
      tpu.wait_dma2 semaphore(%arg12 : memref<!tpu.dma_semaphore, #tpu.memory_space<semaphore_mem>>) src(%dma_wait3A_204 : memref<16x16xf32, #tpu.memory_space<vmem_shared>>) dst(%dma_wait3A_202 : memref<16x16xf32, #tpu.memory_space<vmem>>)
      %dma_wait3A_205 = arith.constant 1 : i32
      %dma_wait3A_206 = arith.constant 0 : i32
      %dma_wait3A_207 = arith.constant 0 : i32
      %dma_wait3A_208 = tpu.memref_slice %arg9[%dma_wait3A_205, %dma_wait3A_206, %dma_wait3A_207] : memref<2x16x16xf32, #tpu.memory_space<vmem>> -> memref<1x16x16xf32, #tpu.memory_space<vmem>>
      %dma_wait3A_209 = tpu.memref_squeeze %dma_wait3A_208 : memref<1x16x16xf32, #tpu.memory_space<vmem>> -> memref<16x16xf32, #tpu.memory_space<vmem>>
      %dma_wait3A_210 = arith.constant 0 : i32
      %dma_wait3A_211 = tpu.memref_slice %arg11[%dma_wait3A_210, %add3A_178] : memref<16x288xf32, #tpu.memory_space<vmem_shared>> -> memref<16x16xf32, #tpu.memory_space<vmem_shared>>
      %dma_wait3A_212 = arith.constant 0 : i32
      %dma_wait3A_213 = arith.constant 0 : i32
      %dma_wait3A_214 = tpu.memref_slice %arg9[%dma_wait3A_205, %dma_wait3A_212, %dma_wait3A_213] : memref<2x16x16xf32, #tpu.memory_space<vmem>> -> memref<1x16x16xf32, #tpu.memory_space<vmem>>
      %dma_wait3A_215 = tpu.memref_squeeze %dma_wait3A_214 : memref<1x16x16xf32, #tpu.memory_space<vmem>> -> memref<16x16xf32, #tpu.memory_space<vmem>>
      %dma_wait3A_216 = arith.constant 0 : i32
      %dma_wait3A_217 = tpu.memref_slice %arg11[%dma_wait3A_216, %add3A_178] : memref<16x288xf32, #tpu.memory_space<vmem_shared>> -> memref<16x16xf32, #tpu.memory_space<vmem_shared>>
      tpu.wait_dma2 semaphore(%arg12 : memref<!tpu.dma_semaphore, #tpu.memory_space<semaphore_mem>>) src(%dma_wait3A_217 : memref<16x16xf32, #tpu.memory_space<vmem_shared>>) dst(%dma_wait3A_215 : memref<16x16xf32, #tpu.memory_space<vmem>>)
      %get3A = arith.constant 0 : i32
      %get3A_218 = arith.constant 0 : i32
      %get3A_219 = arith.index_cast %get3A : i32 to index
      %get3A_220 = arith.index_cast %get3A_218 : i32 to index
      %get3A_221 = arith.constant 0 : index
      %get3A_222 = tpu.vector_load %arg9[%get3A_219, %get3A_220, %get3A_221] {strides = array<i32>} : memref<2x16x16xf32, #tpu.memory_space<vmem>>, vector<16xf32>,
      %get3A_223 = arith.constant 1 : i32
      %get3A_224 = arith.constant 0 : i32
      %get3A_225 = arith.index_cast %get3A_223 : i32 to index
      %get3A_226 = arith.index_cast %get3A_224 : i32 to index
      %get3A_227 = arith.constant 0 : index
      %get3A_228 = tpu.vector_load %arg9[%get3A_225, %get3A_226, %get3A_227] {strides = array<i32>} : memref<2x16x16xf32, #tpu.memory_space<vmem>>, vector<16xf32>,
      %get3A_229 = arith.constant 0 : i32
      %get3A_230 = arith.constant 1 : i32
      %get3A_231 = arith.index_cast %get3A_229 : i32 to index
      %get3A_232 = arith.index_cast %get3A_230 : i32 to index
      %get3A_233 = arith.constant 0 : index
      %get3A_234 = tpu.vector_load %arg9[%get3A_231, %get3A_232, %get3A_233] {strides = array<i32>} : memref<2x16x16xf32, #tpu.memory_space<vmem>>, vector<16xf32>,
      %add3A_235 = arith.addf %get3A_222, %get3A_234 : vector<16xf32>
      %get3A_236 = arith.constant 1 : i32
      %get3A_237 = arith.constant 1 : i32
      %get3A_238 = arith.index_cast %get3A_236 : i32 to index
      %get3A_239 = arith.index_cast %get3A_237 : i32 to index
      %get3A_240 = arith.constant 0 : index
      %get3A_241 = tpu.vector_load %arg9[%get3A_238, %get3A_239, %get3A_240] {strides = array<i32>} : memref<2x16x16xf32, #tpu.memory_space<vmem>>, vector<16xf32>,
      %add3A_242 = arith.addf %get3A_228, %get3A_241 : vector<16xf32>
      %get3A_243 = arith.constant 0 : i32
      %get3A_244 = arith.constant 2 : i32
      %get3A_245 = arith.index_cast %get3A_243 : i32 to index
      %get3A_246 = arith.index_cast %get3A_244 : i32 to index
      %get3A_247 = arith.constant 0 : index
      %get3A_248 = tpu.vector_load %arg9[%get3A_245, %get3A_246, %get3A_247] {strides = array<i32>} : memref<2x16x16xf32, #tpu.memory_space<vmem>>, vector<16xf32>,
      %add3A_249 = arith.addf %add3A_235, %get3A_248 : vector<16xf32>
      %get3A_250 = arith.constant 1 : i32
      %get3A_251 = arith.constant 2 : i32
      %get3A_252 = arith.index_cast %get3A_250 : i32 to index
      %get3A_253 = arith.index_cast %get3A_251 : i32 to index
      %get3A_254 = arith.constant 0 : index
      %get3A_255 = tpu.vector_load %arg9[%get3A_252, %get3A_253, %get3A_254] {strides = array<i32>} : memref<2x16x16xf32, #tpu.memory_space<vmem>>, vector<16xf32>,
      %add3A_256 = arith.addf %add3A_242, %get3A_255 : vector<16xf32>
      %get3A_257 = arith.constant 0 : i32
      %get3A_258 = arith.constant 3 : i32
      %get3A_259 = arith.index_cast %get3A_257 : i32 to index
      %get3A_260 = arith.index_cast %get3A_258 : i32 to index
      %get3A_261 = arith.constant 0 : index
      %get3A_262 = tpu.vector_load %arg9[%get3A_259, %get3A_260, %get3A_261] {strides = array<i32>} : memref<2x16x16xf32, #tpu.memory_space<vmem>>, vector<16xf32>,
      %add3A_263 = arith.addf %add3A_249, %get3A_262 : vector<16xf32>
      %get3A_264 = arith.constant 1 : i32
      %get3A_265 = arith.constant 3 : i32
      %get3A_266 = arith.index_cast %get3A_264 : i32 to index
      %get3A_267 = arith.index_cast %get3A_265 : i32 to index
      %get3A_268 = arith.constant 0 : index
      %get3A_269 = tpu.vector_load %arg9[%get3A_266, %get3A_267, %get3A_268] {strides = array<i32>} : memref<2x16x16xf32, #tpu.memory_space<vmem>>, vector<16xf32>,
      %add3A_270 = arith.addf %add3A_256, %get3A_269 : vector<16xf32>
      %get3A_271 = arith.constant 0 : i32
      %get3A_272 = arith.constant 4 : i32
      %get3A_273 = arith.index_cast %get3A_271 : i32 to index
      %get3A_274 = arith.index_cast %get3A_272 : i32 to index
      %get3A_275 = arith.constant 0 : index
      %get3A_276 = tpu.vector_load %arg9[%get3A_273, %get3A_274, %get3A_275] {strides = array<i32>} : memref<2x16x16xf32, #tpu.memory_space<vmem>>, vector<16xf32>,
      %add3A_277 = arith.addf %add3A_263, %get3A_276 : vector<16xf32>
      %get3A_278 = arith.constant 1 : i32
      %get3A_279 = arith.constant 4 : i32
      %get3A_280 = arith.index_cast %get3A_278 : i32 to index
      %get3A_281 = arith.index_cast %get3A_279 : i32 to index
      %get3A_282 = arith.constant 0 : index
      %get3A_283 = tpu.vector_load %arg9[%get3A_280, %get3A_281, %get3A_282] {strides = array<i32>} : memref<2x16x16xf32, #tpu.memory_space<vmem>>, vector<16xf32>,
      %add3A_284 = arith.addf %add3A_270, %get3A_283 : vector<16xf32>
      %get3A_285 = arith.constant 0 : i32
      %get3A_286 = arith.constant 5 : i32
      %get3A_287 = arith.index_cast %get3A_285 : i32 to index
      %get3A_288 = arith.index_cast %get3A_286 : i32 to index
      %get3A_289 = arith.constant 0 : index
      %get3A_290 = tpu.vector_load %arg9[%get3A_287, %get3A_288, %get3A_289] {strides = array<i32>} : memref<2x16x16xf32, #tpu.memory_space<vmem>>, vector<16xf32>,
      %add3A_291 = arith.addf %add3A_277, %get3A_290 : vector<16xf32>
      %get3A_292 = arith.constant 1 : i32
      %get3A_293 = arith.constant 5 : i32
      %get3A_294 = arith.index_cast %get3A_292 : i32 to index
      %get3A_295 = arith.index_cast %get3A_293 : i32 to index
      %get3A_296 = arith.constant 0 : index
      %get3A_297 = tpu.vector_load %arg9[%get3A_294, %get3A_295, %get3A_296] {strides = array<i32>} : memref<2x16x16xf32, #tpu.memory_space<vmem>>, vector<16xf32>,
      %add3A_298 = arith.addf %add3A_284, %get3A_297 : vector<16xf32>
      %get3A_299 = arith.constant 0 : i32
      %get3A_300 = arith.constant 6 : i32
      %get3A_301 = arith.index_cast %get3A_299 : i32 to index
      %get3A_302 = arith.index_cast %get3A_300 : i32 to index
      %get3A_303 = arith.constant 0 : index
      %get3A_304 = tpu.vector_load %arg9[%get3A_301, %get3A_302, %get3A_303] {strides = array<i32>} : memref<2x16x16xf32, #tpu.memory_space<vmem>>, vector<16xf32>,
      %add3A_305 = arith.addf %add3A_291, %get3A_304 : vector<16xf32>
      %get3A_306 = arith.constant 1 : i32
      %get3A_307 = arith.constant 6 : i32
      %get3A_308 = arith.index_cast %get3A_306 : i32 to index
      %get3A_309 = arith.index_cast %get3A_307 : i32 to index
      %get3A_310 = arith.constant 0 : index
      %get3A_311 = tpu.vector_load %arg9[%get3A_308, %get3A_309, %get3A_310] {strides = array<i32>} : memref<2x16x16xf32, #tpu.memory_space<vmem>>, vector<16xf32>,
      %add3A_312 = arith.addf %add3A_298, %get3A_311 : vector<16xf32>
      %get3A_313 = arith.constant 0 : i32
      %get3A_314 = arith.constant 7 : i32
      %get3A_315 = arith.index_cast %get3A_313 : i32 to index
      %get3A_316 = arith.index_cast %get3A_314 : i32 to index
      %get3A_317 = arith.constant 0 : index
      %get3A_318 = tpu.vector_load %arg9[%get3A_315, %get3A_316, %get3A_317] {strides = array<i32>} : memref<2x16x16xf32, #tpu.memory_space<vmem>>, vector<16xf32>,
      %add3A_319 = arith.addf %add3A_305, %get3A_318 : vector<16xf32>
      %get3A_320 = arith.constant 1 : i32
      %get3A_321 = arith.constant 7 : i32
      %get3A_322 = arith.index_cast %get3A_320 : i32 to index
      %get3A_323 = arith.index_cast %get3A_321 : i32 to index
      %get3A_324 = arith.constant 0 : index
      %get3A_325 = tpu.vector_load %arg9[%get3A_322, %get3A_323, %get3A_324] {strides = array<i32>} : memref<2x16x16xf32, #tpu.memory_space<vmem>>, vector<16xf32>,
      %add3A_326 = arith.addf %add3A_312, %get3A_325 : vector<16xf32>
      %get3A_327 = arith.constant 0 : i32
      %get3A_328 = arith.constant 8 : i32
      %get3A_329 = arith.index_cast %get3A_327 : i32 to index
      %get3A_330 = arith.index_cast %get3A_328 : i32 to index
      %get3A_331 = arith.constant 0 : index
      %get3A_332 = tpu.vector_load %arg9[%get3A_329, %get3A_330, %get3A_331] {strides = array<i32>} : memref<2x16x16xf32, #tpu.memory_space<vmem>>, vector<16xf32>,
      %add3A_333 = arith.addf %add3A_319, %get3A_332 : vector<16xf32>
      %get3A_334 = arith.constant 1 : i32
      %get3A_335 = arith.constant 8 : i32
      %get3A_336 = arith.index_cast %get3A_334 : i32 to index
      %get3A_337 = arith.index_cast %get3A_335 : i32 to index
      %get3A_338 = arith.constant 0 : index
      %get3A_339 = tpu.vector_load %arg9[%get3A_336, %get3A_337, %get3A_338] {strides = array<i32>} : memref<2x16x16xf32, #tpu.memory_space<vmem>>, vector<16xf32>,
      %add3A_340 = arith.addf %add3A_326, %get3A_339 : vector<16xf32>
      %get3A_341 = arith.constant 0 : i32
      %get3A_342 = arith.constant 9 : i32
      %get3A_343 = arith.index_cast %get3A_341 : i32 to index
      %get3A_344 = arith.index_cast %get3A_342 : i32 to index
      %get3A_345 = arith.constant 0 : index
      %get3A_346 = tpu.vector_load %arg9[%get3A_343, %get3A_344, %get3A_345] {strides = array<i32>} : memref<2x16x16xf32, #tpu.memory_space<vmem>>, vector<16xf32>,
      %add3A_347 = arith.addf %add3A_333, %get3A_346 : vector<16xf32>
      %get3A_348 = arith.constant 1 : i32
      %get3A_349 = arith.constant 9 : i32
      %get3A_350 = arith.index_cast %get3A_348 : i32 to index
      %get3A_351 = arith.index_cast %get3A_349 : i32 to index
      %get3A_352 = arith.constant 0 : index
      %get3A_353 = tpu.vector_load %arg9[%get3A_350, %get3A_351, %get3A_352] {strides = array<i32>} : memref<2x16x16xf32, #tpu.memory_space<vmem>>, vector<16xf32>,
      %add3A_354 = arith.addf %add3A_340, %get3A_353 : vector<16xf32>
      %get3A_355 = arith.constant 0 : i32
      %get3A_356 = arith.constant 10 : i32
      %get3A_357 = arith.index_cast %get3A_355 : i32 to index
      %get3A_358 = arith.index_cast %get3A_356 : i32 to index
      %get3A_359 = arith.constant 0 : index
      %get3A_360 = tpu.vector_load %arg9[%get3A_357, %get3A_358, %get3A_359] {strides = array<i32>} : memref<2x16x16xf32, #tpu.memory_space<vmem>>, vector<16xf32>,
      %add3A_361 = arith.addf %add3A_347, %get3A_360 : vector<16xf32>
      %get3A_362 = arith.constant 1 : i32
      %get3A_363 = arith.constant 10 : i32
      %get3A_364 = arith.index_cast %get3A_362 : i32 to index
      %get3A_365 = arith.index_cast %get3A_363 : i32 to index
      %get3A_366 = arith.constant 0 : index
      %get3A_367 = tpu.vector_load %arg9[%get3A_364, %get3A_365, %get3A_366] {strides = array<i32>} : memref<2x16x16xf32, #tpu.memory_space<vmem>>, vector<16xf32>,
      %add3A_368 = arith.addf %add3A_354, %get3A_367 : vector<16xf32>
      %get3A_369 = arith.constant 0 : i32
      %get3A_370 = arith.constant 11 : i32
      %get3A_371 = arith.index_cast %get3A_369 : i32 to index
      %get3A_372 = arith.index_cast %get3A_370 : i32 to index
      %get3A_373 = arith.constant 0 : index
      %get3A_374 = tpu.vector_load %arg9[%get3A_371, %get3A_372, %get3A_373] {strides = array<i32>} : memref<2x16x16xf32, #tpu.memory_space<vmem>>, vector<16xf32>,
      %add3A_375 = arith.addf %add3A_361, %get3A_374 : vector<16xf32>
      %get3A_376 = arith.constant 1 : i32
      %get3A_377 = arith.constant 11 : i32
      %get3A_378 = arith.index_cast %get3A_376 : i32 to index
      %get3A_379 = arith.index_cast %get3A_377 : i32 to index
      %get3A_380 = arith.constant 0 : index
      %get3A_381 = tpu.vector_load %arg9[%get3A_378, %get3A_379, %get3A_380] {strides = array<i32>} : memref<2x16x16xf32, #tpu.memory_space<vmem>>, vector<16xf32>,
      %add3A_382 = arith.addf %add3A_368, %get3A_381 : vector<16xf32>
      %get3A_383 = arith.constant 0 : i32
      %get3A_384 = arith.constant 12 : i32
      %get3A_385 = arith.index_cast %get3A_383 : i32 to index
      %get3A_386 = arith.index_cast %get3A_384 : i32 to index
      %get3A_387 = arith.constant 0 : index
      %get3A_388 = tpu.vector_load %arg9[%get3A_385, %get3A_386, %get3A_387] {strides = array<i32>} : memref<2x16x16xf32, #tpu.memory_space<vmem>>, vector<16xf32>,
      %add3A_389 = arith.addf %add3A_375, %get3A_388 : vector<16xf32>
      %get3A_390 = arith.constant 1 : i32
      %get3A_391 = arith.constant 12 : i32
      %get3A_392 = arith.index_cast %get3A_390 : i32 to index
      %get3A_393 = arith.index_cast %get3A_391 : i32 to index
      %get3A_394 = arith.constant 0 : index
      %get3A_395 = tpu.vector_load %arg9[%get3A_392, %get3A_393, %get3A_394] {strides = array<i32>} : memref<2x16x16xf32, #tpu.memory_space<vmem>>, vector<16xf32>,
      %add3A_396 = arith.addf %add3A_382, %get3A_395 : vector<16xf32>
      %get3A_397 = arith.constant 0 : i32
      %get3A_398 = arith.constant 13 : i32
      %get3A_399 = arith.index_cast %get3A_397 : i32 to index
      %get3A_400 = arith.index_cast %get3A_398 : i32 to index
      %get3A_401 = arith.constant 0 : index
      %get3A_402 = tpu.vector_load %arg9[%get3A_399, %get3A_400, %get3A_401] {strides = array<i32>} : memref<2x16x16xf32, #tpu.memory_space<vmem>>, vector<16xf32>,
      %add3A_403 = arith.addf %add3A_389, %get3A_402 : vector<16xf32>
      %get3A_404 = arith.constant 1 : i32
      %get3A_405 = arith.constant 13 : i32
      %get3A_406 = arith.index_cast %get3A_404 : i32 to index
      %get3A_407 = arith.index_cast %get3A_405 : i32 to index
      %get3A_408 = arith.constant 0 : index
      %get3A_409 = tpu.vector_load %arg9[%get3A_406, %get3A_407, %get3A_408] {strides = array<i32>} : memref<2x16x16xf32, #tpu.memory_space<vmem>>, vector<16xf32>,
      %add3A_410 = arith.addf %add3A_396, %get3A_409 : vector<16xf32>
      %get3A_411 = arith.constant 0 : i32
      %get3A_412 = arith.constant 14 : i32
      %get3A_413 = arith.index_cast %get3A_411 : i32 to index
      %get3A_414 = arith.index_cast %get3A_412 : i32 to index
      %get3A_415 = arith.constant 0 : index
      %get3A_416 = tpu.vector_load %arg9[%get3A_413, %get3A_414, %get3A_415] {strides = array<i32>} : memref<2x16x16xf32, #tpu.memory_space<vmem>>, vector<16xf32>,
      %add3A_417 = arith.addf %add3A_403, %get3A_416 : vector<16xf32>
      %get3A_418 = arith.constant 1 : i32
      %get3A_419 = arith.constant 14 : i32
      %get3A_420 = arith.index_cast %get3A_418 : i32 to index
      %get3A_421 = arith.index_cast %get3A_419 : i32 to index
      %get3A_422 = arith.constant 0 : index
      %get3A_423 = tpu.vector_load %arg9[%get3A_420, %get3A_421, %get3A_422] {strides = array<i32>} : memref<2x16x16xf32, #tpu.memory_space<vmem>>, vector<16xf32>,
      %add3A_424 = arith.addf %add3A_410, %get3A_423 : vector<16xf32>
      %get3A_425 = arith.constant 0 : i32
      %get3A_426 = arith.constant 15 : i32
      %get3A_427 = arith.index_cast %get3A_425 : i32 to index
      %get3A_428 = arith.index_cast %get3A_426 : i32 to index
      %get3A_429 = arith.constant 0 : index
      %get3A_430 = tpu.vector_load %arg9[%get3A_427, %get3A_428, %get3A_429] {strides = array<i32>} : memref<2x16x16xf32, #tpu.memory_space<vmem>>, vector<16xf32>,
      %add3A_431 = arith.addf %add3A_417, %get3A_430 : vector<16xf32>
      %get3A_432 = arith.constant 1 : i32
      %get3A_433 = arith.constant 15 : i32
      %get3A_434 = arith.index_cast %get3A_432 : i32 to index
      %get3A_435 = arith.index_cast %get3A_433 : i32 to index
      %get3A_436 = arith.constant 0 : index
      %get3A_437 = tpu.vector_load %arg9[%get3A_434, %get3A_435, %get3A_436] {strides = array<i32>} : memref<2x16x16xf32, #tpu.memory_space<vmem>>, vector<16xf32>,
      %add3A_438 = arith.addf %add3A_424, %get3A_437 : vector<16xf32>
      %div3A = arith.divf %add3A_431, %add3A_438 : vector<16xf32>
      %swap3A_439 = arith.constant 0 : index
      %swap3A_440 = tpu.vector_load %arg10[%swap3A_439] {strides = array<i32>} : memref<32xf32, #tpu.memory_space<vmem>>, vector<16xf32>,
      tpu.vector_store %arg10[%swap3A_439], %div3A {strides = array<i32>} : memref<32xf32, #tpu.memory_space<vmem>>, vector<16xf32>,
      %mul3A_441 = arith.constant 16 : i32
      %mul3A_442 = arith.muli %arg1, %mul3A_441 : i32
      "tpu.region"() ({
        %run_scoped3A = tpu.sem_alloc : memref<!tpu.dma_semaphore, #tpu.memory_space<semaphore_mem>>
        %dma_start3A_443 = arith.constant 0 : i32
        %dma_start3A_444 = tpu.memref_slice %arg10[%dma_start3A_443] : memref<32xf32, #tpu.memory_space<vmem>> -> memref<16xf32, #tpu.memory_space<vmem>>
        %dma_start3A_445 = tpu.memref_slice %arg4[%mul3A_442] : memref<128xf32, #tpu.memory_space<hbm>> -> memref<16xf32, #tpu.memory_space<hbm>>
        %dma_start3A_446 = tpu.memref_slice %arg4[%mul3A_442] : memref<128xf32, #tpu.memory_space<hbm>> -> memref<16xf32, #tpu.memory_space<hbm>>
        %dma_start3A_447 = arith.constant 0 : i32
        %dma_start3A_448 = tpu.memref_slice %arg10[%dma_start3A_447] : memref<32xf32, #tpu.memory_space<vmem>> -> memref<16xf32, #tpu.memory_space<vmem>>
        tpu.enqueue_dma source(%dma_start3A_448 : memref<16xf32, #tpu.memory_space<vmem>>) target(%dma_start3A_446 : memref<16xf32, #tpu.memory_space<hbm>>) target_semaphore(%run_scoped3A : memref<!tpu.dma_semaphore, #tpu.memory_space<semaphore_mem>>)
        %dma_wait3A_449 = arith.constant 0 : i32
        %dma_wait3A_450 = tpu.memref_slice %arg10[%dma_wait3A_449] : memref<32xf32, #tpu.memory_space<vmem>> -> memref<16xf32, #tpu.memory_space<vmem>>
        %dma_wait3A_451 = tpu.memref_slice %arg4[%mul3A_442] : memref<128xf32, #tpu.memory_space<hbm>> -> memref<16xf32, #tpu.memory_space<hbm>>
        %dma_wait3A_452 = tpu.memref_slice %arg4[%mul3A_442] : memref<128xf32, #tpu.memory_space<hbm>> -> memref<16xf32, #tpu.memory_space<hbm>>
        %dma_wait3A_453 = arith.constant 0 : i32
        %dma_wait3A_454 = tpu.memref_slice %arg10[%dma_wait3A_453] : memref<32xf32, #tpu.memory_space<vmem>> -> memref<16xf32, #tpu.memory_space<vmem>>
        tpu.wait_dma2 semaphore(%run_scoped3A : memref<!tpu.dma_semaphore, #tpu.memory_space<semaphore_mem>>) src(%dma_wait3A_454 : memref<16xf32, #tpu.memory_space<vmem>>) dst(%dma_wait3A_452 : memref<16xf32, #tpu.memory_space<hbm>>)
        tpu.yield
      }) : () -> ()
    } else {
    }
    %ge3A = arith.constant 8 : i32
    %ge3A_156 = arith.cmpi sge, %arg1, %ge3A : i32
    %convert_element_type3A_157 = arith.extui %ge3A_156 : i1 to i32
    %cond3A_158 = arith.constant 0 : i32
    %cond3A_159 = arith.cmpi ne, %convert_element_type3A_157, %cond3A_158 : i32
    scf.if %cond3A_159 {
      %add3A_160 = arith.constant 1.000000e-01 : f32
      %add3A_161 = vector.broadcast %add3A_160 : f32 to vector<16xf32>
      %add3A_162 = arith.addf %broadcast_in_dim3A_1, %add3A_161 : vector<16xf32>
      %swap3A_163 = arith.constant 16 : index
      %swap3A_164 = tpu.vector_load %arg10[%swap3A_163] {strides = array<i32>} : memref<32xf32, #tpu.memory_space<vmem>>, vector<16xf32>,
      tpu.vector_store %arg10[%swap3A_163], %add3A_162 {strides = array<i32>} : memref<32xf32, #tpu.memory_space<vmem>>, vector<16xf32>,
      %sub3A = arith.constant 8 : i32
      %sub3A_165 = arith.subi %arg1, %sub3A : i32
      %mul3A_166 = arith.constant 16 : i32
      %mul3A_167 = arith.muli %sub3A_165, %mul3A_166 : i32
      "tpu.region"() ({
        %run_scoped3A = tpu.sem_alloc : memref<!tpu.dma_semaphore, #tpu.memory_space<semaphore_mem>>
        %dma_start3A_168 = arith.constant 16 : i32
        %dma_start3A_169 = tpu.memref_slice %arg10[%dma_start3A_168] : memref<32xf32, #tpu.memory_space<vmem>> -> memref<16xf32, #tpu.memory_space<vmem>>
        %dma_start3A_170 = tpu.memref_slice %arg5[%mul3A_167] : memref<128xf32, #tpu.memory_space<hbm>> -> memref<16xf32, #tpu.memory_space<hbm>>
        %dma_start3A_171 = tpu.memref_slice %arg5[%mul3A_167] : memref<128xf32, #tpu.memory_space<hbm>> -> memref<16xf32, #tpu.memory_space<hbm>>
        %dma_start3A_172 = arith.constant 16 : i32
        %dma_start3A_173 = tpu.memref_slice %arg10[%dma_start3A_172] : memref<32xf32, #tpu.memory_space<vmem>> -> memref<16xf32, #tpu.memory_space<vmem>>
        tpu.enqueue_dma source(%dma_start3A_173 : memref<16xf32, #tpu.memory_space<vmem>>) target(%dma_start3A_171 : memref<16xf32, #tpu.memory_space<hbm>>) target_semaphore(%run_scoped3A : memref<!tpu.dma_semaphore, #tpu.memory_space<semaphore_mem>>)
        %dma_wait3A_174 = arith.constant 16 : i32
        %dma_wait3A_175 = tpu.memref_slice %arg10[%dma_wait3A_174] : memref<32xf32, #tpu.memory_space<vmem>> -> memref<16xf32, #tpu.memory_space<vmem>>
        %dma_wait3A_176 = tpu.memref_slice %arg5[%mul3A_167] : memref<128xf32, #tpu.memory_space<hbm>> -> memref<16xf32, #tpu.memory_space<hbm>>
        %dma_wait3A_177 = tpu.memref_slice %arg5[%mul3A_167] : memref<128xf32, #tpu.memory_space<hbm>> -> memref<16xf32, #tpu.memory_space<hbm>>
        %dma_wait3A_178 = arith.constant 16 : i32
        %dma_wait3A_179 = tpu.memref_slice %arg10[%dma_wait3A_178] : memref<32xf32, #tpu.memory_space<vmem>> -> memref<16xf32, #tpu.memory_space<vmem>>
        tpu.wait_dma2 semaphore(%run_scoped3A : memref<!tpu.dma_semaphore, #tpu.memory_space<semaphore_mem>>) src(%dma_wait3A_179 : memref<16xf32, #tpu.memory_space<vmem>>) dst(%dma_wait3A_177 : memref<16xf32, #tpu.memory_space<hbm>>)
        tpu.yield
      }) : () -> ()
    } else {
    }
    return
  }
}

</mosaic_0001>

<sc_bundles>
// kernel: kernel.3.cloned.1.call-start
scs
__scs_entry_jumppad:
0x0: {  	(pc) =	sbr.rel $0x88, $3  }
0x1: {  	(tag) =	ssettag $0x0;
	lr =	simm.s32 $0x1  }
0x2: {  	[smem:$0x3F9F] =	sst lr;
	_ =	strace $0xD0000000  }
0x3: {  	_ = 	snop  }
0x4: {  	_ = 	snop  }
0x5: {  	_ = 	snop  }
0x6: {  	_ = 	snop  }
0x7: {  	_ = 	snop  }
__scs_overlays_trampoline_lowered:
0x8: {  	[smem:$0x3FAE] =	sst s0  }
0x9: {  	[smem:$0x3FAF] =	sst s1  }
0xa: {  	[smem:$0x3FB0] =	sst s2  }
0xb: {  	[smem:$0x3FB1] =	sst s3  }
0xc: {  	[smem:$0x3FB2] =	sst s4  }
0xd: {  	[smem:$0x3FB3] =	sst s5  }
0xe: {  	[smem:$0x3FB4] =	sst s6  }
0xf: {  	[smem:$0x3FB5] =	sst s7  }
0x10: {  	[smem:$0x3FB6] =	sst s8  }
0x11: {  	[smem:$0x3FB7] =	sst s9;
	s0 =	simm.s32 @!p0 $0x0  }
0x12: {  	s1 =	sld [smem:$0x3F9D];
	s0 =	simm.s32 @p0 $0x1  }
0x13: {  	[smem:$0x3FB8] =	sst s0;
	s0 =	simm.s32 @!p1 $0x0  }
0x14: {  	s2 =	sld [smem:$0x3F9C];
	s0 =	simm.s32 @p1 $0x1  }
0x15: {  	[smem:$0x3FB9] =	sst s0;
	s0 =	simm.s32 @!p2 $0x0  }
0x16: {  	s3 =	sld [smem:$0x3FDB];
	s0 =	simm.s32 @p2 $0x1  }
0x17: {  	s4 =	simm.s32 $0x1BF5;
	[smem:$0x3FBB] =	sst s0  }
0x18: {  	s0 =	sld [smem:$0x3F9E];
	_ =	swait.ge [sflag:s4], $0x0  }
0x19: {  	s7 =	sld [smem:$0x3F9F]  }
0x1a: {  	s8 =	sadd.s32 $0xFFFFE003, lr  }
0x1b: {  	s9 =	sadd.s32 $0xFFFFFEF7, lr;
	s5 =	simm.s32 $0xFFFFFFFF;
	p2 =	slt.u32 s8, $0xFFFFF086  }
0x1c: {  	p1 =	slt.u32 s9, $0xF7A;
	s5 =	simm.s32 @!p2 $0x0  }
0x1d: {  	s5 =	simm.s32 @p1 $0x1;
	p0 =	seq.s32 s7, s2  }
0x1e: {  	s7 =	smul.u32 @!p0 $0xF7A, s2;
	p2 =	seq.s32 @!p0 s5, $0x0  }
0x1f: {  	s9 =	smul.u32 $0xF7A, s1;
	s8 =	simm.s32 @!p0 $0x1BF5;
	p2 =	por !p2, p0  }
0x20: {  	[sflag:s8] =	ssyncset.s32 @!p0 $0xFFFFF086;
	s6 =	sadd.s32 @!p0 s3, s7;
	s7 =	simm.s32 @!p0 $0x108  }
0x21: {  	s3 =	sadd.s32 s3, s9;
	s6 =	sadd.s32 @!p0 $0x88, s6;
	s7 =	simm.s32 @p2 $0x1082  }
0x22: {  	[simem:s7], [sflag:s8] =	dma.local @!p0 [hbm:s6], $0xF7A  }
0x23: {  	s9 =	sor.u32 $0xD0000000, s2;
	s6 =	simm.s32 $0x108;
	_ =	swait.ge @!p0 [sflag:s8], $0x0  }
0x24: {  	s3 =	sadd.s32 $0x88, s3;
	s6 =	simm.s32 @!p1 $0x1082;
	[sflag:s4] =	ssyncset.s32 $0xFFFFF086  }
0x25: {  	[simem:s6], [sflag:s4] =	dma.local [hbm:s3], $0xF7A  }
0x26: {  	[smem:$0x3F9F] =	sst s1;
	(tag) =	ssettag s2;
	_ =	strace s9  }
0x27: {  	s1 =	sld [smem:$0x3FAF]  }
0x28: {  	s2 =	sld [smem:$0x3FB0]  }
0x29: {  	s4 =	sld [smem:$0x3FB2]  }
0x2a: {  	p0 =	seq.s32 s5, $0x0;
	s5 =	sld [smem:$0x3FB3]  }
0x2b: {  	s6 =	sld [smem:$0x3FB4]  }
0x2c: {  	s7 =	sld [smem:$0x3FB5]  }
0x2d: {  	s3 =	simm.s32 $0x108;
	s8 =	sld [smem:$0x3FB6]  }
0x2e: {  	s3 =	simm.s32 @!p0 $0x1082;
	s9 =	sld [smem:$0x3FB7]  }
0x2f: {  	lr =	sadd.s32 s0, s3;
	s0 =	sld [smem:$0x3FAE]  }
0x30: {  	s3 =	sld [smem:$0x3FB1]  }
0x31: {  	[smem:$0x3FBA] =	sst s10  }
0x32: {  	s10 =	sld [smem:$0x3FB8];
	_ =	sdelay $0x3  }
0x33: {  	p0 =	seq.s32 s10, $0x1;
	s10 =	sld [smem:$0x3FBA];
	_ =	sdelay $0x3  }
0x34: {  	[smem:$0x3FBA] =	sst s10  }
0x35: {  	s10 =	sld [smem:$0x3FB9];
	_ =	sdelay $0x3  }
0x36: {  	p1 =	seq.s32 s10, $0x1;
	s10 =	sld [smem:$0x3FBA];
	_ =	sdelay $0x3  }
0x37: {  	[smem:$0x3FBA] =	sst s10  }
0x38: {  	s10 =	sld [smem:$0x3FBB]  }
0x39: {  	_ = 	snop;
	(pc) =	sbr.ind lr, $3  }
0x3a: {  	_ = 	snop  }
0x3b: {  	_ = 	snop  }
0x3c: {  	p2 =	seq.s32 s10, $0x1;
	s10 =	sld [smem:$0x3FBA]  }
0x3d: {  	_ =	shalt  }
0x3e: {  	_ =	shalt  }
0x3f: {  	_ =	shalt  }
0x40: {  	_ =	shalt  }
0x41: {  	_ =	shalt  }
0x42: {  	_ =	shalt  }
0x43: {  	_ =	shalt  }
0x44: {  	_ =	shalt  }
0x45: {  	_ =	shalt  }
0x46: {  	_ =	shalt  }
0x47: {  	_ =	shalt  }
0x48: {  	_ =	shalt  }
0x49: {  	_ =	shalt  }
0x4a: {  	_ =	shalt  }
0x4b: {  	_ =	shalt  }
0x4c: {  	_ =	shalt  }
0x4d: {  	_ =	shalt  }
0x4e: {  	_ =	shalt  }
0x4f: {  	_ =	shalt  }
0x50: {  	_ =	shalt  }
0x51: {  	_ =	shalt  }
0x52: {  	_ =	shalt  }
0x53: {  	_ =	shalt  }
0x54: {  	_ =	shalt  }
0x55: {  	_ =	shalt  }
0x56: {  	_ =	shalt  }
0x57: {  	_ =	shalt  }
0x58: {  	_ =	shalt  }
0x59: {  	_ =	shalt  }
0x5a: {  	_ =	shalt  }
0x5b: {  	_ =	shalt  }
0x5c: {  	_ =	shalt  }
0x5d: {  	_ =	shalt  }
0x5e: {  	_ =	shalt  }
0x5f: {  	_ =	shalt  }
0x60: {  	_ =	shalt  }
0x61: {  	_ =	shalt  }
0x62: {  	_ =	shalt  }
0x63: {  	_ =	shalt  }
0x64: {  	_ =	shalt  }
0x65: {  	_ =	shalt  }
0x66: {  	_ =	shalt  }
0x67: {  	_ =	shalt  }
0x68: {  	_ =	shalt  }
0x69: {  	_ =	shalt  }
0x6a: {  	_ =	shalt  }
0x6b: {  	_ =	shalt  }
0x6c: {  	_ =	shalt  }
0x6d: {  	_ =	shalt  }
0x6e: {  	_ =	shalt  }
0x6f: {  	_ =	shalt  }
0x70: {  	_ =	shalt  }
0x71: {  	_ =	shalt  }
0x72: {  	_ =	shalt  }
0x73: {  	_ =	shalt  }
0x74: {  	_ =	shalt  }
0x75: {  	_ =	shalt  }
0x76: {  	_ =	shalt  }
0x77: {  	_ =	shalt  }
0x78: {  	_ =	shalt  }
0x79: {  	_ =	shalt  }
0x7a: {  	_ =	shalt  }
0x7b: {  	_ =	shalt  }
0x7c: {  	_ =	shalt  }
0x7d: {  	_ =	shalt  }
0x7e: {  	_ =	shalt  }
0x7f: {  	_ =	shalt  }
0x80: {  	_ =	shalt  }
0x81: {  	_ =	shalt  }
0x82: {  	_ =	shalt  }
0x83: {  	_ =	shalt  }
0x84: {  	_ =	shalt  }
0x85: {  	_ =	shalt  }
0x86: {  	_ =	shalt  }
0x87: {  	_ =	shalt  }
.Lfunc_end0:
.L_simem_size_0:
called_computation_lowered:
.L_overlay_start_0:
0x88: {  	s0 =	sld [smem:$0x3FD9]  }
0x89: {  	s1 =	sld [smem:$0x3FFE];
	_ =	sdelay $0x3  }
0x8a: {  	s0 =	sadd.s32 s1, s0  }
0x8b: {  	[smem:$0x3FC6] =	sst s0  }
0x8c: {  	_ = 	snop  }
0x8d: {  	s0 =	sld [smem:$0x3FD0];
	_ =	sdelay $0x1  }
0x8e: {  	s14 =	sld [smem:$0x3FC9]  }
0x8f: {  	s3 =	simm.s32 $0xA;
	s4 =	simm.s32 $0x10;
	s2 =	sld [smem:$0x3FC8]  }
0x90: {  	[smem:s4], [sflag:s3] =	dma.local [hbm:s0], $0x1  }
0x91: {  	_ =	swait.eq [sflag:s3], $0x1  }
0x92: {  	[sflag:s3] =	ssyncset.done $0x0  }
0x93: {  	s15 =	sld [smem:$0x10];
	[sflag:s3] =	ssyncadd.s32 $0xFFFFFFFF  }
0x94: {  	s16 =	sld [smem:$0x11];
	(tm) =	ssettm $0x1  }
0x95: {  	s17 =	sld [smem:$0x3FFB];
	_ =	sdelay $0x3  }
0x96: {  	_ =	strace s17  }
0x97: {  	s4 =	sld [smem:$0x3FFC];
	_ =	sdelay $0x3  }
0x98: {  	_ =	strace s4  }
0x99: {  	s4 =	sld [smem:$0x3FFD];
	_ =	sdelay $0x3  }
0x9a: {  	_ =	strace s4  }
0x9b: {  	_ =	strace $0x8FFFFFFF  }
0x9c: {  	s18 =	sld [smem:$0x3FDB];
	_ =	sdelay $0x1  }
0x9d: {  	s5 =	simm.s32 $_scs_section_size  }
0x9e: {  	s6 =	simm.s32 $_size__tile_overlayer_lowered;
	s7 =	simm.s32 $_tile_overlayer_lowered  }
0x9f: {  	s21 =	simm.s32 $0x1BFF;
	s20 =	sshll.u32 s7, $0x1;
	s4 =	sadd.s32 s5, s18  }
0xa0: {  	s8 =	simm.s32 $0x0;
	s19 =	sshll.u32 s6, $0x1;
	s6 =	sadd.s32 s20, s4  }
0xa1: {  	[timem:s8], [sflag:s21] =	dma.local [hbm:s6], s19  }
0xa2: {  	_ =	swait.ge [sflag:s21], s19  }
0xa3: {  	s5 =	ssub.s32 $0x0, s19;
	[sflag:s21] =	ssyncset.done $0x0  }
0xa4: {  	[sflag:s21] =	ssyncadd.s32 s5;
	_ =	sdelay $0x1  }
0xa5: {  	s22 =	simm.s32 $0x1B8B  }
0xa6: {  	_ =	swait.ge [sflag:s22], $0x1  }
0xa7: {  	[sflag:s22] =	ssyncset.done $0x0  }
0xa8: {  	s23 =	simm.s32 $0x1B8E;
	[sflag:s22] =	ssyncadd.s32 $0xFFFFFFFF  }
0xa9: {  	s24 =	simm.s32 $execute0_lowered;
	[smem:$0x3FD2] =	sst s23  }
0xaa: {  	s5 =	sshll.u32 s24, $0x1;
	_ =	strace $0x80000046;
	[dreg:$0x1] =	wrdreg $0xFFFFFFFF  }
0xab: {  	s25 =	simm.s32 $_size_execute0_lowered;
	s4 =	sadd.s32 s4, s5;
	[dreg:$0x0] =	wrdreg $0x0  }
0xac: {  	s5 =	sshll.u32 s25, $0x1;
	[dreg:$0x2] =	wrdreg s4  }
0xad: {  	[dreg:$0x3] =	wrdreg s5  }
0xae: {  	[dreg:$0x4] =	wrdreg $0xC0  }
0xaf: {  	_ =	task [dreg:s8], $0x5FFFF  }
0xb0: {  	[dreg:$0x1] =	wrdreg $0xFFFFFFFF  }
0xb1: {  	[dreg:$0x0] =	wrdreg $0x60  }
0xb2: {  	[dreg:$0x2] =	wrdreg s14  }
0xb3: {  	[dreg:$0x3] =	wrdreg s2  }
0xb4: {  	[dreg:$0x4] =	wrdreg s15  }
0xb5: {  	[dreg:$0x5] =	wrdreg s16  }
0xb6: {  	[dreg:$0x6] =	wrdreg $0x2DC00  }
0xb7: {  	[dreg:$0x7] =	wrdreg $0x9  }
0xb8: {  	_ =	task.clear_ibuf [dreg:s8], $0x8FFFF;
	_ =	strace $0x90000046  }
0xb9: {  	s26 =	simm.s32 $0x9;
	_ =	strace $0x80000048  }
0xba: {  	_ =	swait.ge [sflag:s26], $0x1  }
0xbb: {  	[sflag:s26] =	ssyncadd.s32 $0xFFFFFFFF  }
0xbc: {  	_ =	strace $0x90000048  }
0xbd: {  	_ =	sfence  }
0xbe: {  	s28 =	sld [smem:$0x0];
	_ =	sdelay $0x1  }
0xbf: {  	s29 =	srdreg.scid  }
0xc0: {  	s30 =	sshll.u32 s29, $0xD;
	s31 =	sshrl.u32 s29, $0x2  }
0xc1: {  	s1 =	sand.u32 $0x1, s29;
	s2 =	sand.u32 $0x4000, s30;
	s0 =	sadd.s32 s31, s28  }
0xc2: {  	s1 =	sor.u32 s2, s1;
	s0 =	sshll.u32 s0, $0x11  }
0xc3: {  	s0 =	sor.u32 s0, s1  }
0xc4: {  	s0 =	sadd.s32 $0x8F2B, s0  }
0xc5: {  	[sflag:s0] =	ssyncadd.remote.s32 $0x1  }
0xc6: {  	_ =	sfence.sel $0xFFFF  }
0xc7: {  	[dreg:$0x0] =	wrdreg $0xFFFFFFFF;
	(pc) =	sbr.abs _section_cstart, $3  }
0xc8: {  	[dreg:$0x1] =	wrdreg $0xFFFFFFFF  }
0xc9: {  	_ =	task.clear_ibuf [dreg:s8], $0x2FFFF;
	_ =	strace $0x9FFFFFFF  }
0xca: {  	(tm) =	ssettm $0x7FFFFFFF  }
0xcb: {  	_ =	shalt  }
tec
execute0_lowered:
.L_overlay_start_1:
0x0: {  	(tag) =	ssettag $0x1  }
0x1: {  	s6 =	rddreg [dreg:$0x0]  }
0x2: {  	s7 =	rddreg [dreg:$0x1]  }
0x3: {  	s2 =	rddreg [dreg:$0x2]  }
0x4: {  	s3 =	rddreg [dreg:$0x3]  }
0x5: {  	s0 =	stileid.u32;
	s4 =	rddreg [dreg:$0x4]  }
0x6: {  	s1 =	rddreg [dreg:$0x5];
	s8 =	smul.u32 $0x4E, s0  }
0x7: {  	s5 =	simm.s32 $0x0;
	s18 =	simm.s32 $0x2800;
	s10 =	smul.u32 $0x13800, s0  }
0x8: {  	s19 =	simm.s32 $0x10;
	s9 =	smul.u32 $0x2700, s0;
	[smem:$0x7FF] =	sst s5  }
0x9: {  	_ =	strace $0x80000047;
	s7 =	sadd.s32 s7, s8;
	s17 =	sshrl.u32 s10, $0x3  }
0xa: {  	[tilespmem:s18], [sflag:$0x1] =	stream.linear.gather [hbm4b:s7+s5], $0x280, $0x38;
	[tilespmem:$0x2EE0] =	vst v63  }
0xb: {  	s20 =	simm.s32 $0x80;
	s16 =	sadd.s32 s6, s9;
	s6 =	sadd.s32 s6, s17  }
0xc: {  	[tilespmem:s5], [sflag:$0x1] =	stream.strided.gather [hbm4b:s16+s19], $0xA00, s20, s19, $0x38;
	[tilespmem:$0x2EE0] =	vst v63  }
0xd: {  	s22 =	simm.s32 $0xA00;
	s21 =	sadd.s32 $0xA00, s6  }
0xe: {  	[tilespmem:s22], [sflag:$0x1] =	stream.strided.gather [hbm4b:s21+s19], $0xA00, s20, s19, $0x38;
	[tilespmem:$0x2EE0] =	vst v63  }
0xf: {  	s24 =	simm.s32 $0x1400;
	s23 =	sadd.s32 $0x1400, s6  }
0x10: {  	[tilespmem:s24], [sflag:$0x1] =	stream.strided.gather [hbm4b:s23+s19], $0xA00, s20, s19, $0x38;
	[tilespmem:$0x2EE0] =	vst v63  }
0x11: {  	s25 =	simm.s32 $0x1E00;
	s6 =	sadd.s32 $0x1E00, s6  }
0x12: {  	v0 =	vimm.f32 $0.0e+00;
	[tilespmem:s25], [sflag:$0x1] =	stream.strided.gather [hbm4b:s6+s19], $0xA00, s20, s19, $0x38;
	[tilespmem:$0x2EE0] =	vst v63  }
0x13: {  	[tilespmem:$0x2A80] =	vst v0  }
0x14: {  	[tilespmem:$0x2A90] =	vst v0  }
0x15: {  	[tilespmem:$0x2AA0] =	vst v0  }
0x16: {  	[tilespmem:$0x2AB0] =	vst v0  }
0x17: {  	[tilespmem:$0x2AC0] =	vst v0  }
0x18: {  	[tilespmem:$0x2AD0] =	vst v0  }
0x19: {  	[tilespmem:$0x2AE0] =	vst v0  }
0x1a: {  	[tilespmem:$0x2AF0] =	vst v0  }
0x1b: {  	[tilespmem:$0x2B00] =	vst v0  }
0x1c: {  	[tilespmem:$0x2B10] =	vst v0  }
0x1d: {  	[tilespmem:$0x2B20] =	vst v0  }
0x1e: {  	[tilespmem:$0x2B30] =	vst v0  }
0x1f: {  	[tilespmem:$0x2B40] =	vst v0  }
0x20: {  	[tilespmem:$0x2B50] =	vst v0  }
0x21: {  	[tilespmem:$0x2B60] =	vst v0  }
0x22: {  	[tilespmem:$0x2B70] =	vst v0  }
0x23: {  	[tilespmem:$0x2B80] =	vst v0  }
0x24: {  	s26 =	simm.s32 $0x1;
	[tilespmem:$0x2B90] =	vst v0  }
0x25: {  	_ =	swait.ge [sflag:s26], $0x280  }
0x26: {  	s28 =	simm.s32 $0x0;
	v0 =	vlaneseq.u32;
	[sflag:s26] =	ssyncset.done $0x0  }
0x27: {  	v1 =	vmov s28;
	v0 =	vmul.u32 $0x10, v0;
	[sflag:s26] =	ssyncadd.s32 $0xFFFFFD80  }
0x28: {  	v1 =	vshll.u32 v1, $0x4;
	_ =	swait.ge [sflag:s26], $0xA00  }
0x29: {  	v1 =	vor.u32 v0, v1;
	[sflag:s26] =	ssyncset.done $0x0  }
0x2a: {  	s29 =	simm.s32 $0x2810;
	[sflag:s26] =	ssyncadd.s32 $0xFFFFF600  }
0x2b: {  	v3 =	vld [tilespmem:s29+$0xFFFFFFF0];
	_ =	sdelay $0x2  }
0x2c: {  	v7 =	vld.idx.msk [tilespmem:v1+s5+$0x0], $0xffff  }
0x2d: {  	v2 =	vmov s19  }
0x2e: {  	v2 =	vshll.u32 v2, $0x4;
	v8 =	vadd.s32 $0x90, v3  }
0x2f: {  	s30 =	simm.s32 $0x20;
	v4 =	vor.u32 v0, v2  }
0x30: {  	s31 =	simm.s32 $0x30;
	s6 =	simm.s32 $0x2A80;
	v2 =	vld [tilespmem:s29+$0x0];
	v1 =	vmov s30  }
0x31: {  	s7 =	simm.s32 $0x2830;
	v1 =	vshll.u32 v1, $0x4;
	[tilespmem:v3+s6+$0x0] =	vst.idx.add.f32.msk $0xffff, v7;
	v3 =	vmov s31  }
0x32: {  	v6 =	vld [tilespmem:s7+$0xFFFFFFF0];
	v9 =	vor.u32 v0, v1;
	v1 =	vimm.f32 $1.000000000e+00;
	v3 =	vshll.u32 v3, $0x4  }
0x33: {  	[tilespmem:v8+s6+$0x0] =	vst.idx.add.f32.msk $0xffff, v1;
	v8 =	vor.u32 v0, v3  }
0x34: {  	v5 =	vld.idx.msk [tilespmem:v4+s5+$0x0], $0xffff  }
0x35: {  	v3 =	vadd.s32 $0x90, v2  }
0x36: {  	v4 =	vld [tilespmem:s7+$0x0]  }
0x37: {  	s8 =	simm.s32 $0x2;
	s9 =	simm.s32 $0x50;
	v7 =	vld.idx.msk [tilespmem:v9+s5+$0x0], $0xffff  }
.LBB2_1:
0x38: {  	s10 =	sadd.s32 $0xFFFFFFF0, s9;
	v9 =	vmov s9;
	v10 =	vld.idx.msk [tilespmem:v8+s5+$0x0], $0xffff;
	v11 =	vmov v6  }
0x39: {  	s8 =	sadd.s32 $0x2, s8;
	v6 =	vmov s10;
	v8 =	vshll.u32 v9, $0x4;
	v9 =	vadd.s32 $0x90, v11;
	[tilespmem:v2+s6+$0x0] =	vst.idx.add.f32.msk $0xffff, v5  }
0x3a: {  	p0 =	slt.u32 s8, $0x8;
	v5 =	vshll.u32 v6, $0x4;
	v8 =	vor.u32 v0, v8;
	[tilespmem:v3+s6+$0x0] =	vst.idx.add.f32.msk $0xffff, v1  }
0x3b: {  	s7 =	sadd.s32 $0x20, s7;
	v12 =	vor.u32 v0, v5;
	v3 =	vadd.s32 $0x90, v4;
	v2 =	vmov v4  }
.Ltmp0:
0x3c: {  	v6 =	vld [tilespmem:s7+$0xFFFFFFF0];
	(pc) =	sbr.rel @p0 .LBB2_1-.Ltmp0, $4  }
0x3d: {  	[tilespmem:v11+s6+$0x0] =	vst.idx.add.f32.msk $0xffff, v7  }
0x3e: {  	v5 =	vmov v10;
	[tilespmem:v9+s6+$0x0] =	vst.idx.add.f32.msk $0xffff, v1  }
0x3f: {  	v4 =	vld [tilespmem:s7+$0x0]  }
0x40: {  	s9 =	sadd.s32 $0x20, s9;
	v7 =	vld.idx.msk [tilespmem:v12+s5+$0x0], $0xffff  }
0x41: {  	_ =	sdelay $0x2  }
0x42: {  	v0 =	vadd.s32 $0x90, v6  }
0x43: {  	v8 =	vld.idx.msk [tilespmem:v8+s5+$0x0], $0xffff  }
0x44: {  	[tilespmem:v2+s6+$0x0] =	vst.idx.add.f32.msk $0xffff, v5;
	v2 =	vadd.s32 $0x90, v4  }
0x45: {  	[tilespmem:v3+s6+$0x0] =	vst.idx.add.f32.msk $0xffff, v1  }
0x46: {  	[tilespmem:v6+s6+$0x0] =	vst.idx.add.f32.msk $0xffff, v7  }
0x47: {  	[tilespmem:v0+s6+$0x0] =	vst.idx.add.f32.msk $0xffff, v1  }
0x48: {  	s29 =	simm.s32 $0xA0;
	[tilespmem:v4+s6+$0x0] =	vst.idx.add.f32.msk $0xffff, v8;
	v0 =	vlaneseq.u32  }
0x49: {  	s28 =	simm.s32 $0x1;
	v0 =	vmul.u32 $0x10, v0;
	[tilespmem:v2+s6+$0x0] =	vst.idx.add.f32.msk $0xffff, v1;
	v1 =	vmov s29  }
0x4a: {  	_ =	swait.ge [sflag:s28], $0xA00;
	v1 =	vshll.u32 v1, $0x4  }
0x4b: {  	[sflag:s28] =	ssyncset.done $0x0;
	v1 =	vor.u32 v0, v1  }
0x4c: {  	s30 =	simm.s32 $0x28B0;
	[sflag:s28] =	ssyncadd.s32 $0xFFFFF600  }
0x4d: {  	v3 =	vld [tilespmem:s30+$0xFFFFFFF0];
	_ =	sdelay $0x1  }
0x4e: {  	s5 =	simm.s32 $0x0  }
0x4f: {  	s31 =	simm.s32 $0xB0;
	v7 =	vld.idx.msk [tilespmem:v1+s5+$0x0], $0xffff  }
0x50: {  	v2 =	vmov s31  }
0x51: {  	v2 =	vshll.u32 v2, $0x4;
	v8 =	vadd.s32 $0x90, v3  }
0x52: {  	s7 =	simm.s32 $0xC0;
	v4 =	vor.u32 v0, v2  }
0x53: {  	s8 =	simm.s32 $0xD0;
	s6 =	simm.s32 $0x2A80;
	v2 =	vld [tilespmem:s30+$0x0];
	v1 =	vmov s7  }
0x54: {  	s7 =	simm.s32 $0x28D0;
	v1 =	vshll.u32 v1, $0x4;
	[tilespmem:v3+s6+$0x0] =	vst.idx.add.f32.msk $0xffff, v7;
	v3 =	vmov s8  }
0x55: {  	v6 =	vld [tilespmem:s7+$0xFFFFFFF0];
	v9 =	vor.u32 v0, v1;
	v1 =	vimm.f32 $1.000000000e+00;
	v3 =	vshll.u32 v3, $0x4  }
0x56: {  	[tilespmem:v8+s6+$0x0] =	vst.idx.add.f32.msk $0xffff, v1;
	v8 =	vor.u32 v0, v3  }
0x57: {  	v5 =	vld.idx.msk [tilespmem:v4+s5+$0x0], $0xffff  }
0x58: {  	v3 =	vadd.s32 $0x90, v2  }
0x59: {  	v4 =	vld [tilespmem:s7+$0x0]  }
0x5a: {  	s9 =	simm.s32 $0xF0;
	s8 =	simm.s32 $0xC;
	v7 =	vld.idx.msk [tilespmem:v9+s5+$0x0], $0xffff  }
.LBB2_3:
0x5b: {  	s10 =	sadd.s32 $0xFFFFFFF0, s9;
	v9 =	vmov s9;
	v10 =	vld.idx.msk [tilespmem:v8+s5+$0x0], $0xffff;
	v11 =	vmov v6  }
0x5c: {  	s8 =	sadd.s32 $0x2, s8;
	v6 =	vmov s10;
	v8 =	vshll.u32 v9, $0x4;
	v9 =	vadd.s32 $0x90, v11;
	[tilespmem:v2+s6+$0x0] =	vst.idx.add.f32.msk $0xffff, v5  }
0x5d: {  	p0 =	slt.u32 s8, $0x12;
	v5 =	vshll.u32 v6, $0x4;
	v8 =	vor.u32 v0, v8;
	[tilespmem:v3+s6+$0x0] =	vst.idx.add.f32.msk $0xffff, v1  }
0x5e: {  	s7 =	sadd.s32 $0x20, s7;
	v12 =	vor.u32 v0, v5;
	v3 =	vadd.s32 $0x90, v4;
	v2 =	vmov v4  }
.Ltmp1:
0x5f: {  	v6 =	vld [tilespmem:s7+$0xFFFFFFF0];
	(pc) =	sbr.rel @p0 .LBB2_3-.Ltmp1, $4  }
0x60: {  	[tilespmem:v11+s6+$0x0] =	vst.idx.add.f32.msk $0xffff, v7  }
0x61: {  	v5 =	vmov v10;
	[tilespmem:v9+s6+$0x0] =	vst.idx.add.f32.msk $0xffff, v1  }
0x62: {  	v4 =	vld [tilespmem:s7+$0x0]  }
0x63: {  	s9 =	sadd.s32 $0x20, s9;
	v7 =	vld.idx.msk [tilespmem:v12+s5+$0x0], $0xffff  }
0x64: {  	_ =	sdelay $0x2  }
0x65: {  	v0 =	vadd.s32 $0x90, v6  }
0x66: {  	v8 =	vld.idx.msk [tilespmem:v8+s5+$0x0], $0xffff  }
0x67: {  	[tilespmem:v2+s6+$0x0] =	vst.idx.add.f32.msk $0xffff, v5;
	v2 =	vadd.s32 $0x90, v4  }
0x68: {  	[tilespmem:v3+s6+$0x0] =	vst.idx.add.f32.msk $0xffff, v1  }
0x69: {  	[tilespmem:v6+s6+$0x0] =	vst.idx.add.f32.msk $0xffff, v7  }
0x6a: {  	[tilespmem:v0+s6+$0x0] =	vst.idx.add.f32.msk $0xffff, v1  }
0x6b: {  	s29 =	simm.s32 $0x140;
	[tilespmem:v4+s6+$0x0] =	vst.idx.add.f32.msk $0xffff, v8;
	v0 =	vlaneseq.u32  }
0x6c: {  	s28 =	simm.s32 $0x1;
	v0 =	vmul.u32 $0x10, v0;
	[tilespmem:v2+s6+$0x0] =	vst.idx.add.f32.msk $0xffff, v1;
	v1 =	vmov s29  }
0x6d: {  	_ =	swait.ge [sflag:s28], $0xA00;
	v1 =	vshll.u32 v1, $0x4  }
0x6e: {  	[sflag:s28] =	ssyncset.done $0x0;
	v1 =	vor.u32 v0, v1  }
0x6f: {  	s30 =	simm.s32 $0x2950;
	[sflag:s28] =	ssyncadd.s32 $0xFFFFF600  }
0x70: {  	v3 =	vld [tilespmem:s30+$0xFFFFFFF0];
	_ =	sdelay $0x1  }
0x71: {  	s5 =	simm.s32 $0x0  }
0x72: {  	s31 =	simm.s32 $0x150;
	v7 =	vld.idx.msk [tilespmem:v1+s5+$0x0], $0xffff  }
0x73: {  	v2 =	vmov s31  }
0x74: {  	v2 =	vshll.u32 v2, $0x4;
	v8 =	vadd.s32 $0x90, v3  }
0x75: {  	s7 =	simm.s32 $0x160;
	v4 =	vor.u32 v0, v2  }
0x76: {  	s8 =	simm.s32 $0x170;
	s6 =	simm.s32 $0x2A80;
	v2 =	vld [tilespmem:s30+$0x0];
	v1 =	vmov s7  }
0x77: {  	s7 =	simm.s32 $0x2970;
	v1 =	vshll.u32 v1, $0x4;
	[tilespmem:v3+s6+$0x0] =	vst.idx.add.f32.msk $0xffff, v7;
	v3 =	vmov s8  }
0x78: {  	v6 =	vld [tilespmem:s7+$0xFFFFFFF0];
	v9 =	vor.u32 v0, v1;
	v1 =	vimm.f32 $1.000000000e+00;
	v3 =	vshll.u32 v3, $0x4  }
0x79: {  	[tilespmem:v8+s6+$0x0] =	vst.idx.add.f32.msk $0xffff, v1;
	v8 =	vor.u32 v0, v3  }
0x7a: {  	v5 =	vld.idx.msk [tilespmem:v4+s5+$0x0], $0xffff  }
0x7b: {  	v3 =	vadd.s32 $0x90, v2  }
0x7c: {  	v4 =	vld [tilespmem:s7+$0x0]  }
0x7d: {  	s9 =	simm.s32 $0x190;
	s8 =	simm.s32 $0x16;
	v7 =	vld.idx.msk [tilespmem:v9+s5+$0x0], $0xffff  }
.LBB2_5:
0x7e: {  	s10 =	sadd.s32 $0xFFFFFFF0, s9;
	v9 =	vmov s9;
	v10 =	vld.idx.msk [tilespmem:v8+s5+$0x0], $0xffff;
	v11 =	vmov v6  }
0x7f: {  	s8 =	sadd.s32 $0x2, s8;
	v6 =	vmov s10;
	v8 =	vshll.u32 v9, $0x4;
	v9 =	vadd.s32 $0x90, v11;
	[tilespmem:v2+s6+$0x0] =	vst.idx.add.f32.msk $0xffff, v5  }
0x80: {  	p0 =	slt.u32 s8, $0x1C;
	v5 =	vshll.u32 v6, $0x4;
	v8 =	vor.u32 v0, v8;
	[tilespmem:v3+s6+$0x0] =	vst.idx.add.f32.msk $0xffff, v1  }
0x81: {  	s7 =	sadd.s32 $0x20, s7;
	v12 =	vor.u32 v0, v5;
	v3 =	vadd.s32 $0x90, v4;
	v2 =	vmov v4  }
.Ltmp2:
0x82: {  	v6 =	vld [tilespmem:s7+$0xFFFFFFF0];
	(pc) =	sbr.rel @p0 .LBB2_5-.Ltmp2, $4  }
0x83: {  	[tilespmem:v11+s6+$0x0] =	vst.idx.add.f32.msk $0xffff, v7  }
0x84: {  	v5 =	vmov v10;
	[tilespmem:v9+s6+$0x0] =	vst.idx.add.f32.msk $0xffff, v1  }
0x85: {  	v4 =	vld [tilespmem:s7+$0x0]  }
0x86: {  	s9 =	sadd.s32 $0x20, s9;
	v7 =	vld.idx.msk [tilespmem:v12+s5+$0x0], $0xffff  }
0x87: {  	_ =	sdelay $0x2  }
0x88: {  	v0 =	vadd.s32 $0x90, v6  }
0x89: {  	v8 =	vld.idx.msk [tilespmem:v8+s5+$0x0], $0xffff  }
0x8a: {  	[tilespmem:v2+s6+$0x0] =	vst.idx.add.f32.msk $0xffff, v5;
	v2 =	vadd.s32 $0x90, v4  }
0x8b: {  	[tilespmem:v3+s6+$0x0] =	vst.idx.add.f32.msk $0xffff, v1  }
0x8c: {  	[tilespmem:v6+s6+$0x0] =	vst.idx.add.f32.msk $0xffff, v7  }
0x8d: {  	[tilespmem:v0+s6+$0x0] =	vst.idx.add.f32.msk $0xffff, v1  }
0x8e: {  	s29 =	simm.s32 $0x1E0;
	[tilespmem:v4+s6+$0x0] =	vst.idx.add.f32.msk $0xffff, v8;
	v0 =	vlaneseq.u32  }
0x8f: {  	s28 =	simm.s32 $0x1;
	v0 =	vmul.u32 $0x10, v0;
	[tilespmem:v2+s6+$0x0] =	vst.idx.add.f32.msk $0xffff, v1;
	v1 =	vmov s29  }
0x90: {  	_ =	swait.ge [sflag:s28], $0xA00;
	v1 =	vshll.u32 v1, $0x4  }
0x91: {  	[sflag:s28] =	ssyncset.done $0x0;
	v1 =	vor.u32 v0, v1  }
0x92: {  	s30 =	simm.s32 $0x29F0;
	s31 =	simm.s32 $0x1F0;
	[sflag:s28] =	ssyncadd.s32 $0xFFFFF600  }
0x93: {  	v2 =	vmov s31;
	v3 =	vld [tilespmem:s30+$0xFFFFFFF0]  }
0x94: {  	v2 =	vshll.u32 v2, $0x4  }
0x95: {  	s5 =	simm.s32 $0x0;
	v4 =	vor.u32 v0, v2  }
0x96: {  	v7 =	vld.idx.msk [tilespmem:v1+s5+$0x0], $0xffff;
	_ =	sdelay $0x1  }
0x97: {  	v8 =	vadd.s32 $0x90, v3  }
0x98: {  	s7 =	simm.s32 $0x200;
	v2 =	vld [tilespmem:s30+$0x0]  }
0x99: {  	s8 =	simm.s32 $0x210;
	s6 =	simm.s32 $0x2A80;
	v1 =	vmov s7;
	v5 =	vld.idx.msk [tilespmem:v4+s5+$0x0], $0xffff  }
0x9a: {  	s7 =	simm.s32 $0x2A10;
	v1 =	vshll.u32 v1, $0x4;
	[tilespmem:v3+s6+$0x0] =	vst.idx.add.f32.msk $0xffff, v7;
	v3 =	vmov s8  }
0x9b: {  	v6 =	vld [tilespmem:s7+$0xFFFFFFF0];
	v9 =	vor.u32 v0, v1;
	v1 =	vimm.f32 $1.000000000e+00;
	v4 =	vshll.u32 v3, $0x4  }
0x9c: {  	[tilespmem:v8+s6+$0x0] =	vst.idx.add.f32.msk $0xffff, v1;
	v8 =	vor.u32 v0, v4;
	_ =	sdelay $0x1  }
0x9d: {  	v4 =	vadd.s32 $0x90, v2  }
0x9e: {  	v3 =	vld [tilespmem:s7+$0x0]  }
0x9f: {  	s9 =	simm.s32 $0x230;
	s8 =	simm.s32 $0x20;
	v7 =	vld.idx.msk [tilespmem:v9+s5+$0x0], $0xffff  }
.LBB2_7:
0xa0: {  	s10 =	sadd.s32 $0xFFFFFFF0, s9;
	v9 =	vmov s9;
	v10 =	vld.idx.msk [tilespmem:v8+s5+$0x0], $0xffff;
	v11 =	vmov v6  }
0xa1: {  	s8 =	sadd.s32 $0x2, s8;
	v6 =	vmov s10;
	v8 =	vshll.u32 v9, $0x4;
	v9 =	vadd.s32 $0x90, v11;
	[tilespmem:v2+s6+$0x0] =	vst.idx.add.f32.msk $0xffff, v5  }
0xa2: {  	p0 =	slt.u32 s8, $0x24;
	v5 =	vshll.u32 v6, $0x4;
	v8 =	vor.u32 v0, v8;
	[tilespmem:v4+s6+$0x0] =	vst.idx.add.f32.msk $0xffff, v1  }
0xa3: {  	s7 =	sadd.s32 $0x20, s7;
	v12 =	vor.u32 v0, v5;
	v4 =	vadd.s32 $0x90, v3;
	v2 =	vmov v3  }
.Ltmp3:
0xa4: {  	v6 =	vld [tilespmem:s7+$0xFFFFFFF0];
	(pc) =	sbr.rel @p0 .LBB2_7-.Ltmp3, $4  }
0xa5: {  	[tilespmem:v11+s6+$0x0] =	vst.idx.add.f32.msk $0xffff, v7  }
0xa6: {  	v5 =	vmov v10;
	[tilespmem:v9+s6+$0x0] =	vst.idx.add.f32.msk $0xffff, v1  }
0xa7: {  	v3 =	vld [tilespmem:s7+$0x0]  }
0xa8: {  	s9 =	sadd.s32 $0x20, s9;
	v7 =	vld.idx.msk [tilespmem:v12+s5+$0x0], $0xffff  }
0xa9: {  	_ =	sdelay $0x2  }
0xaa: {  	v0 =	vadd.s32 $0x90, v6  }
0xab: {  	v8 =	vld.idx.msk [tilespmem:v8+s5+$0x0], $0xffff  }
0xac: {  	[tilespmem:v2+s6+$0x0] =	vst.idx.add.f32.msk $0xffff, v5;
	v59 =	vadd.s32 $0x90, v3  }
0xad: {  	[tilespmem:v4+s6+$0x0] =	vst.idx.add.f32.msk $0xffff, v1  }
0xae: {  	v60 =	vlaneseq.u32;
	[tilespmem:v6+s6+$0x0] =	vst.idx.add.f32.msk $0xffff, v7  }
0xaf: {  	v61 =	vmul.u32 $0x10, v60;
	[tilespmem:v0+s6+$0x0] =	vst.idx.add.f32.msk $0xffff, v1  }
0xb0: {  	[tilespmem:v3+s6+$0x0] =	vst.idx.add.f32.msk $0xffff, v8  }
0xb1: {  	v0 =	vor.u32 $0x2600, v61;
	[tilespmem:v59+s6+$0x0] =	vst.idx.add.f32.msk $0xffff, v1  }
0xb2: {  	v1 =	vld [tilespmem:$0x2A60];
	_ =	sdelay $0x2  }
0xb3: {  	s28 =	simm.s32 $0x0  }
0xb4: {  	v0 =	vld.idx.msk [tilespmem:v0+s28+$0x0], $0xffff  }
0xb5: {  	v62 =	vadd.s32 $0x90, v1  }
0xb6: {  	p0 =	sne.s32 s0, $0xF  }
0xb7: {  	v3 =	vlaneseq.u32 @!p0  }
0xb8: {  	s29 =	simm.s32 $0x2A80;
	v3 =	vmul.u32 @!p0 $0x10, v3  }
0xb9: {  	v63 =	vimm.f32 $1.000000000e+00;
	[tilespmem:v1+s29+$0x0] =	vst.idx.add.f32.msk $0xffff, v0  }
0xba: {  	v0 =	vor.u32 @!p0 $0x2700, v3;
	[tilespmem:v62+s29+$0x0] =	vst.idx.add.f32.msk $0xffff, v63  }
0xbb: {  	v1 =	vld @!p0 [tilespmem:$0x2A70];
	_ =	sdelay $0x2  }
0xbc: {  	s6 =	simm.s32 @!p0 $0x0  }
0xbd: {  	v0 =	vld.idx.msk @!p0 [tilespmem:v0+s6+$0x0], $0xffff  }
0xbe: {  	v2 =	vadd.s32 @!p0 $0x90, v1;
	_ =	sdelay $0x1  }
0xbf: {  	s30 =	smul.u32 $0x480, s0  }
0xc0: {  	s7 =	simm.s32 @!p0 $0x2A80  }
0xc1: {  	s6 =	sshrl.u32 s30, $0x2;
	[tilespmem:v1+s7+$0x0] =	vst.idx.add.f32.msk @!p0 $0xffff, v0;
	v0 =	vimm.f32 @!p0 $1.000000000e+00  }
0xc2: {  	s31 =	simm.s32 $0x2;
	s6 =	sadd.s32 s6, s4;
	[tilespmem:v2+s7+$0x0] =	vst.idx.add.f32.msk @!p0 $0xffff, v0;
	p0 =	sgt.u32 s0, $0x7  }
0xc3: {  	[spmem:s6] =	stream.linear.scatter [tilespmem:s29], [sflag:$0x2], $0x120, $0x38;
	[tilespmem:$0x2EE0] =	vst v63  }
.Ltmp4:
0xc4: {  	_ =	swait.ge [sflag:s31], $0x120;
	(pc) =	sbr.rel @p0 .LBB2_10-.Ltmp4, $4  }
0xc5: {  	[sflag:s31] =	ssyncset.done $0x0  }
0xc6: {  	[sflag:s31] =	ssyncadd.s32 $0xFFFFFEE0  }
0xc7: {  	[bflag:$0x0] =	sbarrier.arrive $0xFFFF  }
0xc8: {  	s5 =	sshll.u32 s0, $0x4  }
0xc9: {  	s3 =	sadd.s32 s5, s4  }
0xca: {  	s26 =	simm.s32 $0x10;
	s28 =	simm.s32 $0x120;
	s6 =	simm.s32 $0x2BA0  }
0xcb: {  	[tilespmem:s6], [sflag:$0x1] =	stream.strided.gather [spmem:s3], $0x100, s28, s26, $0x38;
	[tilespmem:$0x2EE0] =	vst v63  }
0xcc: {  	s29 =	simm.s32 $0x2CA0;
	s30 =	simm.s32 $0x1;
	s3 =	sadd.s32 $0x90, s3  }
0xcd: {  	[tilespmem:s29], [sflag:$0x1] =	stream.strided.gather [spmem:s3], $0x100, s28, s26, $0x38;
	[tilespmem:$0x2EE0] =	vst v63  }
0xce: {  	_ =	swait.ge [sflag:s30], $0x100  }
0xcf: {  	[sflag:s30] =	ssyncset.done $0x0  }
0xd0: {  	[sflag:s30] =	ssyncadd.s32 $0xFFFFFF00  }
0xd1: {  	_ =	swait.ge [sflag:s30], $0x100  }
0xd2: {  	[sflag:s30] =	ssyncset.done $0x0  }
0xd3: {  	[sflag:s30] =	ssyncadd.s32 $0xFFFFFF00  }
0xd4: {  	v0 =	vld [tilespmem:$0x2CA0]  }
0xd5: {  	v1 =	vld [tilespmem:$0x2CB0];
	_ =	sdelay $0x1  }
0xd6: {  	v2 =	vld [tilespmem:$0x2CC0];
	_ =	sdelay $0x1  }
0xd7: {  	v3 =	vld [tilespmem:$0x2CD0]  }
0xd8: {  	v0 =	vadd.f32 v1, v0  }
0xd9: {  	v39 =	vld [tilespmem:$0x2CE0]  }
0xda: {  	v4 =	vld [tilespmem:$0x2BA0];
	v0 =	vadd.f32 v2, v0  }
0xdb: {  	v40 =	vld [tilespmem:$0x2CF0]  }
0xdc: {  	v5 =	vld [tilespmem:$0x2BB0];
	v0 =	vadd.f32 v3, v0  }
0xdd: {  	v41 =	vld [tilespmem:$0x2D00]  }
0xde: {  	v6 =	vld [tilespmem:$0x2BC0];
	v0 =	vadd.f32 v39, v0  }
0xdf: {  	v42 =	vld [tilespmem:$0x2D10]  }
0xe0: {  	v7 =	vld [tilespmem:$0x2BD0];
	v0 =	vadd.f32 v40, v0  }
0xe1: {  	v43 =	vld [tilespmem:$0x2D20]  }
0xe2: {  	v44 =	vld [tilespmem:$0x2BE0];
	v4 =	vadd.f32 v5, v4;
	v0 =	vadd.f32 v41, v0  }
0xe3: {  	v45 =	vld [tilespmem:$0x2D30]  }
0xe4: {  	v46 =	vld [tilespmem:$0x2BF0];
	v4 =	vadd.f32 v6, v4;
	v0 =	vadd.f32 v42, v0  }
0xe5: {  	v47 =	vld [tilespmem:$0x2D40]  }
0xe6: {  	v48 =	vld [tilespmem:$0x2C00];
	v4 =	vadd.f32 v7, v4;
	v0 =	vadd.f32 v43, v0  }
0xe7: {  	v49 =	vld [tilespmem:$0x2D50]  }
0xe8: {  	v50 =	vld [tilespmem:$0x2C10];
	v4 =	vadd.f32 v44, v4;
	v0 =	vadd.f32 v45, v0  }
0xe9: {  	v51 =	vld [tilespmem:$0x2D60]  }
0xea: {  	v52 =	vld [tilespmem:$0x2C20];
	v4 =	vadd.f32 v46, v4;
	v0 =	vadd.f32 v47, v0  }
0xeb: {  	v53 =	vld [tilespmem:$0x2D70]  }
0xec: {  	v54 =	vld [tilespmem:$0x2C30];
	v4 =	vadd.f32 v48, v4;
	v0 =	vadd.f32 v49, v0  }
0xed: {  	v55 =	vld [tilespmem:$0x2D80]  }
0xee: {  	v56 =	vld [tilespmem:$0x2C40];
	v4 =	vadd.f32 v50, v4;
	v0 =	vadd.f32 v51, v0  }
0xef: {  	v57 =	vld [tilespmem:$0x2D90]  }
0xf0: {  	v4 =	vadd.f32 v52, v4;
	v0 =	vadd.f32 v53, v0  }
0xf1: {  	v58 =	vld [tilespmem:$0x2C50]  }
0xf2: {  	v4 =	vadd.f32 v54, v4;
	v0 =	vadd.f32 v55, v0  }
0xf3: {  	v59 =	vld [tilespmem:$0x2C60]  }
0xf4: {  	v4 =	vadd.f32 v56, v4;
	v0 =	vadd.f32 v57, v0  }
0xf5: {  	v60 =	vld [tilespmem:$0x2C70]  }
0xf6: {  	v1 =	vadd.f32 v58, v4;
	(erf) = vrcp.f32 v0  }
0xf7: {  	v61 =	vld [tilespmem:$0x2C80]  }
0xf8: {  	v1 =	vadd.f32 v59, v1  }
0xf9: {  	v62 =	vld [tilespmem:$0x2C90]  }
0xfa: {  	v1 =	vadd.f32 v60, v1;
	_ =	sdelay $0x1  }
0xfb: {  	v0 =	vadd.f32 v61, v1;
	_ =	sdelay $0x1  }
.Ltmp5:
0xfc: {  	v0 =	vadd.f32 v62, v0;
	(pc) =	sbr.rel .LBB2_11-.Ltmp5, $4  }
0xfd: {  	v63 =	vpop (erf)  }
0xfe: {  	v0 =	vmul.f32 v63, v0  }
0xff: {  	s31 =	sshll.u32 s0, $0x1  }
0x100: {  	s2 =	sadd.s32 s2, s31;
	s3 =	simm.s32 $0x2DA0;
	[tilespmem:$0x2DA0] =	vst v0  }
.LBB2_10:
0x101: {  	s2 =	sadd.s32 $0xFFFFFF80, s5  }
0x102: {  	v0 =	vimm.f32 $1.000000010e-01;
	s2 =	sshrl.u32 s2, $0x3  }
0x103: {  	[tilespmem:$0x2DB0] =	vst v0;
	s2 =	sadd.s32 s3, s2;
	s3 =	simm.s32 $0x2DB0  }
.LBB2_11:
0x104: {  	s4 =	simm.s32 $0x0;
	s31 =	simm.s32 $0x2  }
0x105: {  	[hbm4b:s2+s4] =	stream.linear.scatter [tilespmem:s3], [sflag:$0x2], $0x10, $0x38;
	[tilespmem:$0x2EE0] =	vst v63  }
0x106: {  	_ =	swait.ge [sflag:s31], $0x10  }
0x107: {  	[sflag:s31] =	ssyncset.done $0x0  }
0x108: {  	[sflag:s31] =	ssyncadd.s32 $0xFFFFFFF0  }
0x109: {  	_ =	sfence.sel $0x180000  }
0x10a: {  	[bflag:$0x0] =	sbarrier.arrive $0xFFFF  }
0x10b: {  	p0 =	sne.s32 s0, $0x0;
	_ =	strace $0x90000047  }
0x10c: {  	s0 =	sadd.s32 @!p0 $0x100000, s1;
	[bflag:$0x2] =	sbarrier.arrive $0xFFFF  }
0x10d: {  	[sflag:s0] =	ssyncadd.tile.s32 @!p0 $0x1;
	_ =	shalt  }
.Lfunc_end2:
_tile_overlayer_lowered:
.L_overlay_start_2:
0x10e: {  	(tag) =	ssettag $0x2  }
0x10f: {  	s0 =	rddreg [dreg:$0x0];
	s2 =	stileid.u32  }
0x110: {  	s1 =	rddreg [dreg:$0x1];
	p0 =	sne.s32 s2, $0x0  }
0x111: {  	s3 =	rddreg [dreg:$0x2];
	[bflag:$0x3] =	sbarrier.arrive $0xFFFF;
	s2 =	simm.s32 @!p0 $0x1C02  }
0x112: {  	[timem:s3], [sflag:s2] =	dma.local @!p0 [hbm:s0], s1  }
0x113: {  	s0 =	simm.s32 @!p0 $0x2  }
0x114: {  	_ =	swait.ge @!p0 [sflag:s0], s1  }
0x115: {  	s1 =	ssub.s32 @!p0 $0x0, s1;
	[sflag:s0] =	ssyncset.done @!p0 $0x0  }
0x116: {  	[sflag:s0] =	ssyncadd.s32 @!p0 s1  }
0x117: {  	[bflag:$0x3] =	sbarrier.arrive $0xFFFF  }
0x118: {  	_ =	shalt  }

</sc_bundles>
